<compile_context>
chip_gen: v7x
topology: tpu7x:2x2x1
jax: 0.10.2.dev20260603
libtpu: 0.0.44.dev20260713+nightly
codegen_flags: <defaults>
</compile_context>

<pallas_src>
import functools

import jax
import jax.numpy as jnp
from jax import lax
from jax.experimental import pallas as pl
from jax.experimental.pallas import tpu as pltpu
from jax.experimental.pallas import tpu_sc as plsc

_B = 16384
_L = 200
_C = 5
_VPAD = 48
_NW = 32
_ROWS_W = _B // _NW
_CHUNK_ROWS = 16
_NCHUNK = _ROWS_W // _CHUNK_ROWS
_PAIRS = _CHUNK_ROWS // 2
_VECS = 2 * _L // 16

_mesh = plsc.VectorSubcoreMesh(core_axis_name="c", subcore_axis_name="s")


@functools.partial(
    pl.kernel,
    out_type=jax.ShapeDtypeStruct((_B, _C, _L), jnp.float32),
    mesh=_mesh,
    compiler_params=pltpu.CompilerParams(
        needs_layout_passes=False, use_tc_tiling_on_sc=True),
    scratch_types=[
        pltpu.VMEM((_VPAD,), jnp.float32),
        pltpu.VMEM((_VPAD,), jnp.float32),
        pltpu.VMEM((_VPAD,), jnp.float32),
        pltpu.VMEM((_VPAD,), jnp.float32),
        pltpu.VMEM((_VPAD,), jnp.float32),
        pltpu.VMEM((_CHUNK_ROWS, _L), jnp.int32),
        pltpu.VMEM((_CHUNK_ROWS, _L), jnp.int32),
        pltpu.VMEM((_CHUNK_ROWS, _C, _L), jnp.float32),
        pltpu.VMEM((_CHUNK_ROWS, _C, _L), jnp.float32),
        pltpu.SemaphoreType.DMA,
        pltpu.SemaphoreType.DMA,
        pltpu.SemaphoreType.DMA,
        pltpu.SemaphoreType.DMA,
    ],
)
def _lookup_kernel(xf, tabf, outf, t0, t1, t2, t3, t4, x_a, x_b, o_a, o_b,
                   sx_a, sx_b, so_a, so_b):
    cid = lax.axis_index("c")
    sid = lax.axis_index("s")
    wid = sid * 2 + cid

    tabs = (t0, t1, t2, t3, t4)
    for c in range(_C):
        pltpu.sync_copy(tabf.at[pl.ds(c * _VPAD, _VPAD)], tabs[c])

    row0w = wid * _ROWS_W

    def compute(x_v, o_v):
        def row_body(r, carry):
            pend = None
            for j in range(13):
                col = 16 * j if j < 12 else _L - 16
                xv = x_v[r, pl.ds(col, 16)]
                vals = [plsc.load_gather(tabs[c], [xv]) for c in range(_C)]
                if pend is not None:
                    pcol, pvals = pend
                    for c in range(_C):
                        o_v[r, c, pl.ds(pcol, 16)] = pvals[c]
                pend = (col, vals)
            pcol, pvals = pend
            for c in range(_C):
                o_v[r, c, pl.ds(pcol, 16)] = pvals[c]
            return carry
        lax.fori_loop(0, _CHUNK_ROWS, row_body, 0)

    xbufs = (x_a, x_b)
    obufs = (o_a, o_b)
    xsems = (sx_a, sx_b)
    osems = (so_a, so_b)

    for b in range(2):
        pltpu.async_copy(
            xf.at[pl.ds(row0w + b * _CHUNK_ROWS, _CHUNK_ROWS)],
            xbufs[b], xsems[b])

    def ring_body(k2, carry):
        for b in range(2):
            k = 2 * k2 + b
            row0 = row0w + k * _CHUNK_ROWS
            pltpu.make_async_copy(
                xf.at[pl.ds(row0, _CHUNK_ROWS)], xbufs[b], xsems[b]).wait()

            @pl.when(k2 > 0)
            def _():
                pltpu.make_async_copy(
                    obufs[b], outf.at[pl.ds(row0w, _CHUNK_ROWS)],
                    osems[b]).wait()

            compute(xbufs[b], obufs[b])
            pltpu.async_copy(
                obufs[b], outf.at[pl.ds(row0, _CHUNK_ROWS)], osems[b])

            @pl.when(k2 < _NCHUNK // 2 - 1)
            def _():
                pltpu.async_copy(
                    xf.at[pl.ds(row0 + 2 * _CHUNK_ROWS, _CHUNK_ROWS)],
                    xbufs[b], xsems[b])
        return carry

    lax.fori_loop(0, _NCHUNK // 2, ring_body, 0)

    for b in range(2):
        pltpu.make_async_copy(
            obufs[b], outf.at[pl.ds(row0w, _CHUNK_ROWS)], osems[b]).wait()


def kernel(x, map_table):
    tab = jnp.zeros((_C, _VPAD), jnp.float32).at[:, : map_table.shape[0]].set(
        map_table.T
    )
    return _lookup_kernel(x, tab.reshape(-1))

# --- scband reference (transcript-rebuilt; emitter-appended) ---
"""Pipeline reference for scband-preprocessor-31318901522883 (READ-ONLY COPY).

The authoritative reference and input builder live on the scoring server;
editing this copy changes nothing except your own understanding.
"""

import jax, jax.numpy as jnp
import numpy as np


def _build_map():
    p = 0.5
    n = -0.5
    base = [[0, 0, 0, 0], [p, n, n, n], [n, p, n, n], [n, n, p, n], [n, n, n, p],
            [p, n, n, p], [n, p, p, n], [n, n, p, p], [p, p, n, n], [n, p, n, p],
            [p, n, p, n], [n, p, p, p], [p, n, p, p], [p, p, n, p], [p, p, p, n]]
    rows = []
    for last in (0.0, 1.0, -1.0):
        for b in base:
            rows.append([float(v) for v in b] + [last])
    return jnp.asarray(np.array(rows, dtype=np.float32))


def setup_inputs(seed: int = 0) -> dict:
    key = jax.random.key(seed)
    x = jax.random.randint(key, (16384, 200), 0, 45, dtype=jnp.int32)
    map_table = _build_map()
    return {"x": x, "map_table": map_table}


def reference(x, map_table):
    # y = self.map[x, :]  -> gather rows of the 45x5 table: [B, L, 5]
    y = jnp.take(map_table, x, axis=0)
    # y.transpose_(1, 2)  -> [B, 5, L]
    y = jnp.transpose(y, (0, 2, 1))
    return y

if __name__ == "__main__":
    import jax
    _d = setup_inputs()
    print(jax.jit(kernel)(*tuple(_d.values())))

</pallas_src>

<mosaic_0001>
#map = affine_map<(d0, d1) -> (0, 0)>
#map1 = affine_map<(d0, d1) -> (0)>
#map2 = affine_map<(d0, d1) -> (0, 0, 0)>
module attributes {stable_mosaic.version = 14 : i64} {
  func.func @_lookup_kernel(%arg0: i32, %arg1: i32, %arg2: memref<16384x200xi32, #tpu.memory_space<hbm>>, %arg3: memref<240xf32, #tpu.memory_space<hbm>>, %arg4: memref<16384x5x200xf32, #tpu.memory_space<hbm>>, %arg5: memref<48xf32, #tpu.memory_space<vmem>>, %arg6: memref<48xf32, #tpu.memory_space<vmem>>, %arg7: memref<48xf32, #tpu.memory_space<vmem>>, %arg8: memref<48xf32, #tpu.memory_space<vmem>>, %arg9: memref<48xf32, #tpu.memory_space<vmem>>, %arg10: memref<16x200xi32, #tpu.memory_space<vmem>>, %arg11: memref<16x200xi32, #tpu.memory_space<vmem>>, %arg12: memref<16x5x200xf32, #tpu.memory_space<vmem>>, %arg13: memref<16x5x200xf32, #tpu.memory_space<vmem>>, %arg14: memref<!tpu.dma_semaphore, #tpu.memory_space<semaphore_mem>>, %arg15: memref<!tpu.dma_semaphore, #tpu.memory_space<semaphore_mem>>, %arg16: memref<!tpu.dma_semaphore, #tpu.memory_space<semaphore_mem>>, %arg17: memref<!tpu.dma_semaphore, #tpu.memory_space<semaphore_mem>>) attributes {dimension_semantics = [#tpu.dimension_semantics<core_parallel>, #tpu.dimension_semantics<subcore_parallel>], iteration_bounds = array<i64: 2, 16>, scalar_prefetch = 0 : i64, scratch_operands = 13 : i64, tpu.core_type = #tpu.core_type<sc_vector_subcore>, window_params = [{transform_indices = #map}, {transform_indices = #map1}, {transform_indices = #map2}]} {
    %mul3A = arith.constant 2 : i32
    %mul3A_0 = arith.muli %arg1, %mul3A : i32
    %add3A = arith.addi %mul3A_0, %arg0 : i32
    "tpu.region"() ({
      %run_scoped3A = tpu.sem_alloc : memref<!tpu.dma_semaphore, #tpu.memory_space<semaphore_mem>>
      %dma_start3A_30 = arith.constant 0 : i32
      %dma_start3A_31 = tpu.memref_slice %arg3[%dma_start3A_30] : memref<240xf32, #tpu.memory_space<hbm>> -> memref<48xf32, #tpu.memory_space<hbm>>
      %dma_start3A_32 = arith.constant 0 : i32
      %dma_start3A_33 = tpu.memref_slice %arg3[%dma_start3A_32] : memref<240xf32, #tpu.memory_space<hbm>> -> memref<48xf32, #tpu.memory_space<hbm>>
      tpu.enqueue_dma source(%dma_start3A_33 : memref<48xf32, #tpu.memory_space<hbm>>) target(%arg5 : memref<48xf32, #tpu.memory_space<vmem>>) target_semaphore(%run_scoped3A : memref<!tpu.dma_semaphore, #tpu.memory_space<semaphore_mem>>)
      %dma_wait3A_34 = arith.constant 0 : i32
      %dma_wait3A_35 = tpu.memref_slice %arg3[%dma_wait3A_34] : memref<240xf32, #tpu.memory_space<hbm>> -> memref<48xf32, #tpu.memory_space<hbm>>
      %dma_wait3A_36 = arith.constant 0 : i32
      %dma_wait3A_37 = tpu.memref_slice %arg3[%dma_wait3A_36] : memref<240xf32, #tpu.memory_space<hbm>> -> memref<48xf32, #tpu.memory_space<hbm>>
      tpu.wait_dma2 semaphore(%run_scoped3A : memref<!tpu.dma_semaphore, #tpu.memory_space<semaphore_mem>>) src(%dma_wait3A_37 : memref<48xf32, #tpu.memory_space<hbm>>) dst(%arg5 : memref<48xf32, #tpu.memory_space<vmem>>)
      tpu.yield
    }) : () -> ()
    "tpu.region"() ({
      %run_scoped3A = tpu.sem_alloc : memref<!tpu.dma_semaphore, #tpu.memory_space<semaphore_mem>>
      %dma_start3A_30 = arith.constant 48 : i32
      %dma_start3A_31 = tpu.memref_slice %arg3[%dma_start3A_30] : memref<240xf32, #tpu.memory_space<hbm>> -> memref<48xf32, #tpu.memory_space<hbm>>
      %dma_start3A_32 = arith.constant 48 : i32
      %dma_start3A_33 = tpu.memref_slice %arg3[%dma_start3A_32] : memref<240xf32, #tpu.memory_space<hbm>> -> memref<48xf32, #tpu.memory_space<hbm>>
      tpu.enqueue_dma source(%dma_start3A_33 : memref<48xf32, #tpu.memory_space<hbm>>) target(%arg6 : memref<48xf32, #tpu.memory_space<vmem>>) target_semaphore(%run_scoped3A : memref<!tpu.dma_semaphore, #tpu.memory_space<semaphore_mem>>)
      %dma_wait3A_34 = arith.constant 48 : i32
      %dma_wait3A_35 = tpu.memref_slice %arg3[%dma_wait3A_34] : memref<240xf32, #tpu.memory_space<hbm>> -> memref<48xf32, #tpu.memory_space<hbm>>
      %dma_wait3A_36 = arith.constant 48 : i32
      %dma_wait3A_37 = tpu.memref_slice %arg3[%dma_wait3A_36] : memref<240xf32, #tpu.memory_space<hbm>> -> memref<48xf32, #tpu.memory_space<hbm>>
      tpu.wait_dma2 semaphore(%run_scoped3A : memref<!tpu.dma_semaphore, #tpu.memory_space<semaphore_mem>>) src(%dma_wait3A_37 : memref<48xf32, #tpu.memory_space<hbm>>) dst(%arg6 : memref<48xf32, #tpu.memory_space<vmem>>)
      tpu.yield
    }) : () -> ()
    "tpu.region"() ({
      %run_scoped3A = tpu.sem_alloc : memref<!tpu.dma_semaphore, #tpu.memory_space<semaphore_mem>>
      %dma_start3A_30 = arith.constant 96 : i32
      %dma_start3A_31 = tpu.memref_slice %arg3[%dma_start3A_30] : memref<240xf32, #tpu.memory_space<hbm>> -> memref<48xf32, #tpu.memory_space<hbm>>
      %dma_start3A_32 = arith.constant 96 : i32
      %dma_start3A_33 = tpu.memref_slice %arg3[%dma_start3A_32] : memref<240xf32, #tpu.memory_space<hbm>> -> memref<48xf32, #tpu.memory_space<hbm>>
      tpu.enqueue_dma source(%dma_start3A_33 : memref<48xf32, #tpu.memory_space<hbm>>) target(%arg7 : memref<48xf32, #tpu.memory_space<vmem>>) target_semaphore(%run_scoped3A : memref<!tpu.dma_semaphore, #tpu.memory_space<semaphore_mem>>)
      %dma_wait3A_34 = arith.constant 96 : i32
      %dma_wait3A_35 = tpu.memref_slice %arg3[%dma_wait3A_34] : memref<240xf32, #tpu.memory_space<hbm>> -> memref<48xf32, #tpu.memory_space<hbm>>
      %dma_wait3A_36 = arith.constant 96 : i32
      %dma_wait3A_37 = tpu.memref_slice %arg3[%dma_wait3A_36] : memref<240xf32, #tpu.memory_space<hbm>> -> memref<48xf32, #tpu.memory_space<hbm>>
      tpu.wait_dma2 semaphore(%run_scoped3A : memref<!tpu.dma_semaphore, #tpu.memory_space<semaphore_mem>>) src(%dma_wait3A_37 : memref<48xf32, #tpu.memory_space<hbm>>) dst(%arg7 : memref<48xf32, #tpu.memory_space<vmem>>)
      tpu.yield
    }) : () -> ()
    "tpu.region"() ({
      %run_scoped3A = tpu.sem_alloc : memref<!tpu.dma_semaphore, #tpu.memory_space<semaphore_mem>>
      %dma_start3A_30 = arith.constant 144 : i32
      %dma_start3A_31 = tpu.memref_slice %arg3[%dma_start3A_30] : memref<240xf32, #tpu.memory_space<hbm>> -> memref<48xf32, #tpu.memory_space<hbm>>
      %dma_start3A_32 = arith.constant 144 : i32
      %dma_start3A_33 = tpu.memref_slice %arg3[%dma_start3A_32] : memref<240xf32, #tpu.memory_space<hbm>> -> memref<48xf32, #tpu.memory_space<hbm>>
      tpu.enqueue_dma source(%dma_start3A_33 : memref<48xf32, #tpu.memory_space<hbm>>) target(%arg8 : memref<48xf32, #tpu.memory_space<vmem>>) target_semaphore(%run_scoped3A : memref<!tpu.dma_semaphore, #tpu.memory_space<semaphore_mem>>)
      %dma_wait3A_34 = arith.constant 144 : i32
      %dma_wait3A_35 = tpu.memref_slice %arg3[%dma_wait3A_34] : memref<240xf32, #tpu.memory_space<hbm>> -> memref<48xf32, #tpu.memory_space<hbm>>
      %dma_wait3A_36 = arith.constant 144 : i32
      %dma_wait3A_37 = tpu.memref_slice %arg3[%dma_wait3A_36] : memref<240xf32, #tpu.memory_space<hbm>> -> memref<48xf32, #tpu.memory_space<hbm>>
      tpu.wait_dma2 semaphore(%run_scoped3A : memref<!tpu.dma_semaphore, #tpu.memory_space<semaphore_mem>>) src(%dma_wait3A_37 : memref<48xf32, #tpu.memory_space<hbm>>) dst(%arg8 : memref<48xf32, #tpu.memory_space<vmem>>)
      tpu.yield
    }) : () -> ()
    "tpu.region"() ({
      %run_scoped3A = tpu.sem_alloc : memref<!tpu.dma_semaphore, #tpu.memory_space<semaphore_mem>>
      %dma_start3A_30 = arith.constant 192 : i32
      %dma_start3A_31 = tpu.memref_slice %arg3[%dma_start3A_30] : memref<240xf32, #tpu.memory_space<hbm>> -> memref<48xf32, #tpu.memory_space<hbm>>
      %dma_start3A_32 = arith.constant 192 : i32
      %dma_start3A_33 = tpu.memref_slice %arg3[%dma_start3A_32] : memref<240xf32, #tpu.memory_space<hbm>> -> memref<48xf32, #tpu.memory_space<hbm>>
      tpu.enqueue_dma source(%dma_start3A_33 : memref<48xf32, #tpu.memory_space<hbm>>) target(%arg9 : memref<48xf32, #tpu.memory_space<vmem>>) target_semaphore(%run_scoped3A : memref<!tpu.dma_semaphore, #tpu.memory_space<semaphore_mem>>)
      %dma_wait3A_34 = arith.constant 192 : i32
      %dma_wait3A_35 = tpu.memref_slice %arg3[%dma_wait3A_34] : memref<240xf32, #tpu.memory_space<hbm>> -> memref<48xf32, #tpu.memory_space<hbm>>
      %dma_wait3A_36 = arith.constant 192 : i32
      %dma_wait3A_37 = tpu.memref_slice %arg3[%dma_wait3A_36] : memref<240xf32, #tpu.memory_space<hbm>> -> memref<48xf32, #tpu.memory_space<hbm>>
      tpu.wait_dma2 semaphore(%run_scoped3A : memref<!tpu.dma_semaphore, #tpu.memory_space<semaphore_mem>>) src(%dma_wait3A_37 : memref<48xf32, #tpu.memory_space<hbm>>) dst(%arg9 : memref<48xf32, #tpu.memory_space<vmem>>)
      tpu.yield
    }) : () -> ()
    %mul3A_1 = arith.constant 512 : i32
    %mul3A_2 = arith.muli %add3A, %mul3A_1 : i32
    %add3A_3 = arith.constant 0 : i32
    %add3A_4 = arith.addi %mul3A_2, %add3A_3 : i32
    %dma_start3A = arith.constant 0 : i32
    %dma_start3A_5 = tpu.memref_slice %arg2[%add3A_4, %dma_start3A] : memref<16384x200xi32, #tpu.memory_space<hbm>> -> memref<16x200xi32, #tpu.memory_space<hbm>>
    %dma_start3A_6 = arith.constant 0 : i32
    %dma_start3A_7 = tpu.memref_slice %arg2[%add3A_4, %dma_start3A_6] : memref<16384x200xi32, #tpu.memory_space<hbm>> -> memref<16x200xi32, #tpu.memory_space<hbm>>
    tpu.enqueue_dma source(%dma_start3A_7 : memref<16x200xi32, #tpu.memory_space<hbm>>) target(%arg10 : memref<16x200xi32, #tpu.memory_space<vmem>>) target_semaphore(%arg14 : memref<!tpu.dma_semaphore, #tpu.memory_space<semaphore_mem>>)
    %add3A_8 = arith.constant 16 : i32
    %add3A_9 = arith.addi %mul3A_2, %add3A_8 : i32
    %dma_start3A_10 = arith.constant 0 : i32
    %dma_start3A_11 = tpu.memref_slice %arg2[%add3A_9, %dma_start3A_10] : memref<16384x200xi32, #tpu.memory_space<hbm>> -> memref<16x200xi32, #tpu.memory_space<hbm>>
    %dma_start3A_12 = arith.constant 0 : i32
    %dma_start3A_13 = tpu.memref_slice %arg2[%add3A_9, %dma_start3A_12] : memref<16384x200xi32, #tpu.memory_space<hbm>> -> memref<16x200xi32, #tpu.memory_space<hbm>>
    tpu.enqueue_dma source(%dma_start3A_13 : memref<16x200xi32, #tpu.memory_space<hbm>>) target(%arg11 : memref<16x200xi32, #tpu.memory_space<vmem>>) target_semaphore(%arg15 : memref<!tpu.dma_semaphore, #tpu.memory_space<semaphore_mem>>)
    %scan3A = arith.constant 0 : i32
    %scan3A_14 = arith.constant 0 : i32
    %scan3A_15 = arith.constant 16 : i32
    %scan3A_16 = arith.addi %scan3A_14, %scan3A_15 : i32
    %scan3A_17 = arith.constant 1 : i32
    scf.for %scan3A_30 = %scan3A_14 to %scan3A_16 step %scan3A_17  : i32 {
      %mul3A_31 = arith.constant 2 : i32
      %mul3A_32 = arith.muli %mul3A_31, %scan3A_30 : i32
      %add3A_33 = arith.constant 0 : i32
      %add3A_34 = arith.addi %mul3A_32, %add3A_33 : i32
      %mul3A_35 = arith.constant 16 : i32
      %mul3A_36 = arith.muli %add3A_34, %mul3A_35 : i32
      %add3A_37 = arith.addi %mul3A_2, %mul3A_36 : i32
      %dma_wait3A_38 = arith.constant 0 : i32
      %dma_wait3A_39 = tpu.memref_slice %arg2[%add3A_37, %dma_wait3A_38] : memref<16384x200xi32, #tpu.memory_space<hbm>> -> memref<16x200xi32, #tpu.memory_space<hbm>>
      %dma_wait3A_40 = arith.constant 0 : i32
      %dma_wait3A_41 = tpu.memref_slice %arg2[%add3A_37, %dma_wait3A_40] : memref<16384x200xi32, #tpu.memory_space<hbm>> -> memref<16x200xi32, #tpu.memory_space<hbm>>
      tpu.wait_dma2 semaphore(%arg14 : memref<!tpu.dma_semaphore, #tpu.memory_space<semaphore_mem>>) src(%dma_wait3A_41 : memref<16x200xi32, #tpu.memory_space<hbm>>) dst(%arg10 : memref<16x200xi32, #tpu.memory_space<vmem>>)
      %gt3A = arith.constant 0 : i32
      %gt3A_42 = arith.cmpi sgt, %scan3A_30, %gt3A : i32
      %convert_element_type3A = arith.extui %gt3A_42 : i1 to i32
      %cond3A = arith.constant 0 : i32
      %cond3A_43 = arith.cmpi ne, %convert_element_type3A, %cond3A : i32
      scf.if %cond3A_43 {
        %dma_wait3A_93 = arith.constant 0 : i32
        %dma_wait3A_94 = arith.constant 0 : i32
        %dma_wait3A_95 = tpu.memref_slice %arg4[%mul3A_2, %dma_wait3A_93, %dma_wait3A_94] : memref<16384x5x200xf32, #tpu.memory_space<hbm>> -> memref<16x5x200xf32, #tpu.memory_space<hbm>>
        %dma_wait3A_96 = arith.constant 0 : i32
        %dma_wait3A_97 = arith.constant 0 : i32
        %dma_wait3A_98 = tpu.memref_slice %arg4[%mul3A_2, %dma_wait3A_96, %dma_wait3A_97] : memref<16384x5x200xf32, #tpu.memory_space<hbm>> -> memref<16x5x200xf32, #tpu.memory_space<hbm>>
        tpu.wait_dma2 semaphore(%arg16 : memref<!tpu.dma_semaphore, #tpu.memory_space<semaphore_mem>>) src(%arg12 : memref<16x5x200xf32, #tpu.memory_space<vmem>>) dst(%dma_wait3A_98 : memref<16x5x200xf32, #tpu.memory_space<hbm>>)
      } else {
      }
      %scan3A_44 = arith.constant 0 : i32
      %scan3A_45 = arith.constant 0 : i32
      %scan3A_46 = arith.constant 16 : i32
      %scan3A_47 = arith.addi %scan3A_45, %scan3A_46 : i32
      %scan3A_48 = arith.constant 1 : i32
      scf.for %scan3A_93 = %scan3A_45 to %scan3A_47 step %scan3A_48  : i32 {
        %get3A = arith.index_cast %scan3A_93 : i32 to index
        %get3A_94 = arith.constant 0 : index
        %get3A_95 = tpu.vector_load %arg10[%get3A, %get3A_94] {strides = array<i32>} : memref<16x200xi32, #tpu.memory_space<vmem>>, vector<16xi32>,
        %gather3A = tpu.vector_load_idx %arg5[%get3A_95] : memref<48xf32, #tpu.memory_space<vmem>>[vector<16xi32>], vector<16xf32>,
        %gather3A_96 = tpu.vector_load_idx %arg6[%get3A_95] : memref<48xf32, #tpu.memory_space<vmem>>[vector<16xi32>], vector<16xf32>,
        %gather3A_97 = tpu.vector_load_idx %arg7[%get3A_95] : memref<48xf32, #tpu.memory_space<vmem>>[vector<16xi32>], vector<16xf32>,
        %gather3A_98 = tpu.vector_load_idx %arg8[%get3A_95] : memref<48xf32, #tpu.memory_space<vmem>>[vector<16xi32>], vector<16xf32>,
        %gather3A_99 = tpu.vector_load_idx %arg9[%get3A_95] : memref<48xf32, #tpu.memory_space<vmem>>[vector<16xi32>], vector<16xf32>,
        %get3A_100 = arith.index_cast %scan3A_93 : i32 to index
        %get3A_101 = arith.constant 16 : index
        %get3A_102 = tpu.vector_load %arg10[%get3A_100, %get3A_101] {strides = array<i32>} : memref<16x200xi32, #tpu.memory_space<vmem>>, vector<16xi32>,
        %gather3A_103 = tpu.vector_load_idx %arg5[%get3A_102] : memref<48xf32, #tpu.memory_space<vmem>>[vector<16xi32>], vector<16xf32>,
        %gather3A_104 = tpu.vector_load_idx %arg6[%get3A_102] : memref<48xf32, #tpu.memory_space<vmem>>[vector<16xi32>], vector<16xf32>,
        %gather3A_105 = tpu.vector_load_idx %arg7[%get3A_102] : memref<48xf32, #tpu.memory_space<vmem>>[vector<16xi32>], vector<16xf32>,
        %gather3A_106 = tpu.vector_load_idx %arg8[%get3A_102] : memref<48xf32, #tpu.memory_space<vmem>>[vector<16xi32>], vector<16xf32>,
        %gather3A_107 = tpu.vector_load_idx %arg9[%get3A_102] : memref<48xf32, #tpu.memory_space<vmem>>[vector<16xi32>], vector<16xf32>,
        %swap3A = arith.constant 0 : i32
        %swap3A_108 = arith.index_cast %scan3A_93 : i32 to index
        %swap3A_109 = arith.index_cast %swap3A : i32 to index
        %swap3A_110 = arith.constant 0 : index
        %swap3A_111 = tpu.vector_load %arg12[%swap3A_108, %swap3A_109, %swap3A_110] {strides = array<i32>} : memref<16x5x200xf32, #tpu.memory_space<vmem>>, vector<16xf32>,
        tpu.vector_store %arg12[%swap3A_108, %swap3A_109, %swap3A_110], %gather3A {strides = array<i32>} : memref<16x5x200xf32, #tpu.memory_space<vmem>>, vector<16xf32>,
        %swap3A_112 = arith.constant 1 : i32
        %swap3A_113 = arith.index_cast %scan3A_93 : i32 to index
        %swap3A_114 = arith.index_cast %swap3A_112 : i32 to index
        %swap3A_115 = arith.constant 0 : index
        %swap3A_116 = tpu.vector_load %arg12[%swap3A_113, %swap3A_114, %swap3A_115] {strides = array<i32>} : memref<16x5x200xf32, #tpu.memory_space<vmem>>, vector<16xf32>,
        tpu.vector_store %arg12[%swap3A_113, %swap3A_114, %swap3A_115], %gather3A_96 {strides = array<i32>} : memref<16x5x200xf32, #tpu.memory_space<vmem>>, vector<16xf32>,
        %swap3A_117 = arith.constant 2 : i32
        %swap3A_118 = arith.index_cast %scan3A_93 : i32 to index
        %swap3A_119 = arith.index_cast %swap3A_117 : i32 to index
        %swap3A_120 = arith.constant 0 : index
        %swap3A_121 = tpu.vector_load %arg12[%swap3A_118, %swap3A_119, %swap3A_120] {strides = array<i32>} : memref<16x5x200xf32, #tpu.memory_space<vmem>>, vector<16xf32>,
        tpu.vector_store %arg12[%swap3A_118, %swap3A_119, %swap3A_120], %gather3A_97 {strides = array<i32>} : memref<16x5x200xf32, #tpu.memory_space<vmem>>, vector<16xf32>,
        %swap3A_122 = arith.constant 3 : i32
        %swap3A_123 = arith.index_cast %scan3A_93 : i32 to index
        %swap3A_124 = arith.index_cast %swap3A_122 : i32 to index
        %swap3A_125 = arith.constant 0 : index
        %swap3A_126 = tpu.vector_load %arg12[%swap3A_123, %swap3A_124, %swap3A_125] {strides = array<i32>} : memref<16x5x200xf32, #tpu.memory_space<vmem>>, vector<16xf32>,
        tpu.vector_store %arg12[%swap3A_123, %swap3A_124, %swap3A_125], %gather3A_98 {strides = array<i32>} : memref<16x5x200xf32, #tpu.memory_space<vmem>>, vector<16xf32>,
        %swap3A_127 = arith.constant 4 : i32
        %swap3A_128 = arith.index_cast %scan3A_93 : i32 to index
        %swap3A_129 = arith.index_cast %swap3A_127 : i32 to index
        %swap3A_130 = arith.constant 0 : index
        %swap3A_131 = tpu.vector_load %arg12[%swap3A_128, %swap3A_129, %swap3A_130] {strides = array<i32>} : memref<16x5x200xf32, #tpu.memory_space<vmem>>, vector<16xf32>,
        tpu.vector_store %arg12[%swap3A_128, %swap3A_129, %swap3A_130], %gather3A_99 {strides = array<i32>} : memref<16x5x200xf32, #tpu.memory_space<vmem>>, vector<16xf32>,
        %get3A_132 = arith.index_cast %scan3A_93 : i32 to index
        %get3A_133 = arith.constant 32 : index
        %get3A_134 = tpu.vector_load %arg10[%get3A_132, %get3A_133] {strides = array<i32>} : memref<16x200xi32, #tpu.memory_space<vmem>>, vector<16xi32>,
        %gather3A_135 = tpu.vector_load_idx %arg5[%get3A_134] : memref<48xf32, #tpu.memory_space<vmem>>[vector<16xi32>], vector<16xf32>,
        %gather3A_136 = tpu.vector_load_idx %arg6[%get3A_134] : memref<48xf32, #tpu.memory_space<vmem>>[vector<16xi32>], vector<16xf32>,
        %gather3A_137 = tpu.vector_load_idx %arg7[%get3A_134] : memref<48xf32, #tpu.memory_space<vmem>>[vector<16xi32>], vector<16xf32>,
        %gather3A_138 = tpu.vector_load_idx %arg8[%get3A_134] : memref<48xf32, #tpu.memory_space<vmem>>[vector<16xi32>], vector<16xf32>,
        %gather3A_139 = tpu.vector_load_idx %arg9[%get3A_134] : memref<48xf32, #tpu.memory_space<vmem>>[vector<16xi32>], vector<16xf32>,
        %swap3A_140 = arith.constant 0 : i32
        %swap3A_141 = arith.index_cast %scan3A_93 : i32 to index
        %swap3A_142 = arith.index_cast %swap3A_140 : i32 to index
        %swap3A_143 = arith.constant 16 : index
        %swap3A_144 = tpu.vector_load %arg12[%swap3A_141, %swap3A_142, %swap3A_143] {strides = array<i32>} : memref<16x5x200xf32, #tpu.memory_space<vmem>>, vector<16xf32>,
        tpu.vector_store %arg12[%swap3A_141, %swap3A_142, %swap3A_143], %gather3A_103 {strides = array<i32>} : memref<16x5x200xf32, #tpu.memory_space<vmem>>, vector<16xf32>,
        %swap3A_145 = arith.constant 1 : i32
        %swap3A_146 = arith.index_cast %scan3A_93 : i32 to index
        %swap3A_147 = arith.index_cast %swap3A_145 : i32 to index
        %swap3A_148 = arith.constant 16 : index
        %swap3A_149 = tpu.vector_load %arg12[%swap3A_146, %swap3A_147, %swap3A_148] {strides = array<i32>} : memref<16x5x200xf32, #tpu.memory_space<vmem>>, vector<16xf32>,
        tpu.vector_store %arg12[%swap3A_146, %swap3A_147, %swap3A_148], %gather3A_104 {strides = array<i32>} : memref<16x5x200xf32, #tpu.memory_space<vmem>>, vector<16xf32>,
        %swap3A_150 = arith.constant 2 : i32
        %swap3A_151 = arith.index_cast %scan3A_93 : i32 to index
        %swap3A_152 = arith.index_cast %swap3A_150 : i32 to index
        %swap3A_153 = arith.constant 16 : index
        %swap3A_154 = tpu.vector_load %arg12[%swap3A_151, %swap3A_152, %swap3A_153] {strides = array<i32>} : memref<16x5x200xf32, #tpu.memory_space<vmem>>, vector<16xf32>,
        tpu.vector_store %arg12[%swap3A_151, %swap3A_152, %swap3A_153], %gather3A_105 {strides = array<i32>} : memref<16x5x200xf32, #tpu.memory_space<vmem>>, vector<16xf32>,
        %swap3A_155 = arith.constant 3 : i32
        %swap3A_156 = arith.index_cast %scan3A_93 : i32 to index
        %swap3A_157 = arith.index_cast %swap3A_155 : i32 to index
        %swap3A_158 = arith.constant 16 : index
        %swap3A_159 = tpu.vector_load %arg12[%swap3A_156, %swap3A_157, %swap3A_158] {strides = array<i32>} : memref<16x5x200xf32, #tpu.memory_space<vmem>>, vector<16xf32>,
        tpu.vector_store %arg12[%swap3A_156, %swap3A_157, %swap3A_158], %gather3A_106 {strides = array<i32>} : memref<16x5x200xf32, #tpu.memory_space<vmem>>, vector<16xf32>,
        %swap3A_160 = arith.constant 4 : i32
        %swap3A_161 = arith.index_cast %scan3A_93 : i32 to index
        %swap3A_162 = arith.index_cast %swap3A_160 : i32 to index
        %swap3A_163 = arith.constant 16 : index
        %swap3A_164 = tpu.vector_load %arg12[%swap3A_161, %swap3A_162, %swap3A_163] {strides = array<i32>} : memref<16x5x200xf32, #tpu.memory_space<vmem>>, vector<16xf32>,
        tpu.vector_store %arg12[%swap3A_161, %swap3A_162, %swap3A_163], %gather3A_107 {strides = array<i32>} : memref<16x5x200xf32, #tpu.memory_space<vmem>>, vector<16xf32>,
        %get3A_165 = arith.index_cast %scan3A_93 : i32 to index
        %get3A_166 = arith.constant 48 : index
        %get3A_167 = tpu.vector_load %arg10[%get3A_165, %get3A_166] {strides = array<i32>} : memref<16x200xi32, #tpu.memory_space<vmem>>, vector<16xi32>,
        %gather3A_168 = tpu.vector_load_idx %arg5[%get3A_167] : memref<48xf32, #tpu.memory_space<vmem>>[vector<16xi32>], vector<16xf32>,
        %gather3A_169 = tpu.vector_load_idx %arg6[%get3A_167] : memref<48xf32, #tpu.memory_space<vmem>>[vector<16xi32>], vector<16xf32>,
        %gather3A_170 = tpu.vector_load_idx %arg7[%get3A_167] : memref<48xf32, #tpu.memory_space<vmem>>[vector<16xi32>], vector<16xf32>,
        %gather3A_171 = tpu.vector_load_idx %arg8[%get3A_167] : memref<48xf32, #tpu.memory_space<vmem>>[vector<16xi32>], vector<16xf32>,
        %gather3A_172 = tpu.vector_load_idx %arg9[%get3A_167] : memref<48xf32, #tpu.memory_space<vmem>>[vector<16xi32>], vector<16xf32>,
        %swap3A_173 = arith.constant 0 : i32
        %swap3A_174 = arith.index_cast %scan3A_93 : i32 to index
        %swap3A_175 = arith.index_cast %swap3A_173 : i32 to index
        %swap3A_176 = arith.constant 32 : index
        %swap3A_177 = tpu.vector_load %arg12[%swap3A_174, %swap3A_175, %swap3A_176] {strides = array<i32>} : memref<16x5x200xf32, #tpu.memory_space<vmem>>, vector<16xf32>,
        tpu.vector_store %arg12[%swap3A_174, %swap3A_175, %swap3A_176], %gather3A_135 {strides = array<i32>} : memref<16x5x200xf32, #tpu.memory_space<vmem>>, vector<16xf32>,
        %swap3A_178 = arith.constant 1 : i32
        %swap3A_179 = arith.index_cast %scan3A_93 : i32 to index
        %swap3A_180 = arith.index_cast %swap3A_178 : i32 to index
        %swap3A_181 = arith.constant 32 : index
        %swap3A_182 = tpu.vector_load %arg12[%swap3A_179, %swap3A_180, %swap3A_181] {strides = array<i32>} : memref<16x5x200xf32, #tpu.memory_space<vmem>>, vector<16xf32>,
        tpu.vector_store %arg12[%swap3A_179, %swap3A_180, %swap3A_181], %gather3A_136 {strides = array<i32>} : memref<16x5x200xf32, #tpu.memory_space<vmem>>, vector<16xf32>,
        %swap3A_183 = arith.constant 2 : i32
        %swap3A_184 = arith.index_cast %scan3A_93 : i32 to index
        %swap3A_185 = arith.index_cast %swap3A_183 : i32 to index
        %swap3A_186 = arith.constant 32 : index
        %swap3A_187 = tpu.vector_load %arg12[%swap3A_184, %swap3A_185, %swap3A_186] {strides = array<i32>} : memref<16x5x200xf32, #tpu.memory_space<vmem>>, vector<16xf32>,
        tpu.vector_store %arg12[%swap3A_184, %swap3A_185, %swap3A_186], %gather3A_137 {strides = array<i32>} : memref<16x5x200xf32, #tpu.memory_space<vmem>>, vector<16xf32>,
        %swap3A_188 = arith.constant 3 : i32
        %swap3A_189 = arith.index_cast %scan3A_93 : i32 to index
        %swap3A_190 = arith.index_cast %swap3A_188 : i32 to index
        %swap3A_191 = arith.constant 32 : index
        %swap3A_192 = tpu.vector_load %arg12[%swap3A_189, %swap3A_190, %swap3A_191] {strides = array<i32>} : memref<16x5x200xf32, #tpu.memory_space<vmem>>, vector<16xf32>,
        tpu.vector_store %arg12[%swap3A_189, %swap3A_190, %swap3A_191], %gather3A_138 {strides = array<i32>} : memref<16x5x200xf32, #tpu.memory_space<vmem>>, vector<16xf32>,
        %swap3A_193 = arith.constant 4 : i32
        %swap3A_194 = arith.index_cast %scan3A_93 : i32 to index
        %swap3A_195 = arith.index_cast %swap3A_193 : i32 to index
        %swap3A_196 = arith.constant 32 : index
        %swap3A_197 = tpu.vector_load %arg12[%swap3A_194, %swap3A_195, %swap3A_196] {strides = array<i32>} : memref<16x5x200xf32, #tpu.memory_space<vmem>>, vector<16xf32>,
        tpu.vector_store %arg12[%swap3A_194, %swap3A_195, %swap3A_196], %gather3A_139 {strides = array<i32>} : memref<16x5x200xf32, #tpu.memory_space<vmem>>, vector<16xf32>,
        %get3A_198 = arith.index_cast %scan3A_93 : i32 to index
        %get3A_199 = arith.constant 64 : index
        %get3A_200 = tpu.vector_load %arg10[%get3A_198, %get3A_199] {strides = array<i32>} : memref<16x200xi32, #tpu.memory_space<vmem>>, vector<16xi32>,
        %gather3A_201 = tpu.vector_load_idx %arg5[%get3A_200] : memref<48xf32, #tpu.memory_space<vmem>>[vector<16xi32>], vector<16xf32>,
        %gather3A_202 = tpu.vector_load_idx %arg6[%get3A_200] : memref<48xf32, #tpu.memory_space<vmem>>[vector<16xi32>], vector<16xf32>,
        %gather3A_203 = tpu.vector_load_idx %arg7[%get3A_200] : memref<48xf32, #tpu.memory_space<vmem>>[vector<16xi32>], vector<16xf32>,
        %gather3A_204 = tpu.vector_load_idx %arg8[%get3A_200] : memref<48xf32, #tpu.memory_space<vmem>>[vector<16xi32>], vector<16xf32>,
        %gather3A_205 = tpu.vector_load_idx %arg9[%get3A_200] : memref<48xf32, #tpu.memory_space<vmem>>[vector<16xi32>], vector<16xf32>,
        %swap3A_206 = arith.constant 0 : i32
        %swap3A_207 = arith.index_cast %scan3A_93 : i32 to index
        %swap3A_208 = arith.index_cast %swap3A_206 : i32 to index
        %swap3A_209 = arith.constant 48 : index
        %swap3A_210 = tpu.vector_load %arg12[%swap3A_207, %swap3A_208, %swap3A_209] {strides = array<i32>} : memref<16x5x200xf32, #tpu.memory_space<vmem>>, vector<16xf32>,
        tpu.vector_store %arg12[%swap3A_207, %swap3A_208, %swap3A_209], %gather3A_168 {strides = array<i32>} : memref<16x5x200xf32, #tpu.memory_space<vmem>>, vector<16xf32>,
        %swap3A_211 = arith.constant 1 : i32
        %swap3A_212 = arith.index_cast %scan3A_93 : i32 to index
        %swap3A_213 = arith.index_cast %swap3A_211 : i32 to index
        %swap3A_214 = arith.constant 48 : index
        %swap3A_215 = tpu.vector_load %arg12[%swap3A_212, %swap3A_213, %swap3A_214] {strides = array<i32>} : memref<16x5x200xf32, #tpu.memory_space<vmem>>, vector<16xf32>,
        tpu.vector_store %arg12[%swap3A_212, %swap3A_213, %swap3A_214], %gather3A_169 {strides = array<i32>} : memref<16x5x200xf32, #tpu.memory_space<vmem>>, vector<16xf32>,
        %swap3A_216 = arith.constant 2 : i32
        %swap3A_217 = arith.index_cast %scan3A_93 : i32 to index
        %swap3A_218 = arith.index_cast %swap3A_216 : i32 to index
        %swap3A_219 = arith.constant 48 : index
        %swap3A_220 = tpu.vector_load %arg12[%swap3A_217, %swap3A_218, %swap3A_219] {strides = array<i32>} : memref<16x5x200xf32, #tpu.memory_space<vmem>>, vector<16xf32>,
        tpu.vector_store %arg12[%swap3A_217, %swap3A_218, %swap3A_219], %gather3A_170 {strides = array<i32>} : memref<16x5x200xf32, #tpu.memory_space<vmem>>, vector<16xf32>,
        %swap3A_221 = arith.constant 3 : i32
        %swap3A_222 = arith.index_cast %scan3A_93 : i32 to index
        %swap3A_223 = arith.index_cast %swap3A_221 : i32 to index
        %swap3A_224 = arith.constant 48 : index
        %swap3A_225 = tpu.vector_load %arg12[%swap3A_222, %swap3A_223, %swap3A_224] {strides = array<i32>} : memref<16x5x200xf32, #tpu.memory_space<vmem>>, vector<16xf32>,
        tpu.vector_store %arg12[%swap3A_222, %swap3A_223, %swap3A_224], %gather3A_171 {strides = array<i32>} : memref<16x5x200xf32, #tpu.memory_space<vmem>>, vector<16xf32>,
        %swap3A_226 = arith.constant 4 : i32
        %swap3A_227 = arith.index_cast %scan3A_93 : i32 to index
        %swap3A_228 = arith.index_cast %swap3A_226 : i32 to index
        %swap3A_229 = arith.constant 48 : index
        %swap3A_230 = tpu.vector_load %arg12[%swap3A_227, %swap3A_228, %swap3A_229] {strides = array<i32>} : memref<16x5x200xf32, #tpu.memory_space<vmem>>, vector<16xf32>,
        tpu.vector_store %arg12[%swap3A_227, %swap3A_228, %swap3A_229], %gather3A_172 {strides = array<i32>} : memref<16x5x200xf32, #tpu.memory_space<vmem>>, vector<16xf32>,
        %get3A_231 = arith.index_cast %scan3A_93 : i32 to index
        %get3A_232 = arith.constant 80 : index
        %get3A_233 = tpu.vector_load %arg10[%get3A_231, %get3A_232] {strides = array<i32>} : memref<16x200xi32, #tpu.memory_space<vmem>>, vector<16xi32>,
        %gather3A_234 = tpu.vector_load_idx %arg5[%get3A_233] : memref<48xf32, #tpu.memory_space<vmem>>[vector<16xi32>], vector<16xf32>,
        %gather3A_235 = tpu.vector_load_idx %arg6[%get3A_233] : memref<48xf32, #tpu.memory_space<vmem>>[vector<16xi32>], vector<16xf32>,
        %gather3A_236 = tpu.vector_load_idx %arg7[%get3A_233] : memref<48xf32, #tpu.memory_space<vmem>>[vector<16xi32>], vector<16xf32>,
        %gather3A_237 = tpu.vector_load_idx %arg8[%get3A_233] : memref<48xf32, #tpu.memory_space<vmem>>[vector<16xi32>], vector<16xf32>,
        %gather3A_238 = tpu.vector_load_idx %arg9[%get3A_233] : memref<48xf32, #tpu.memory_space<vmem>>[vector<16xi32>], vector<16xf32>,
        %swap3A_239 = arith.constant 0 : i32
        %swap3A_240 = arith.index_cast %scan3A_93 : i32 to index
        %swap3A_241 = arith.index_cast %swap3A_239 : i32 to index
        %swap3A_242 = arith.constant 64 : index
        %swap3A_243 = tpu.vector_load %arg12[%swap3A_240, %swap3A_241, %swap3A_242] {strides = array<i32>} : memref<16x5x200xf32, #tpu.memory_space<vmem>>, vector<16xf32>,
        tpu.vector_store %arg12[%swap3A_240, %swap3A_241, %swap3A_242], %gather3A_201 {strides = array<i32>} : memref<16x5x200xf32, #tpu.memory_space<vmem>>, vector<16xf32>,
        %swap3A_244 = arith.constant 1 : i32
        %swap3A_245 = arith.index_cast %scan3A_93 : i32 to index
        %swap3A_246 = arith.index_cast %swap3A_244 : i32 to index
        %swap3A_247 = arith.constant 64 : index
        %swap3A_248 = tpu.vector_load %arg12[%swap3A_245, %swap3A_246, %swap3A_247] {strides = array<i32>} : memref<16x5x200xf32, #tpu.memory_space<vmem>>, vector<16xf32>,
        tpu.vector_store %arg12[%swap3A_245, %swap3A_246, %swap3A_247], %gather3A_202 {strides = array<i32>} : memref<16x5x200xf32, #tpu.memory_space<vmem>>, vector<16xf32>,
        %swap3A_249 = arith.constant 2 : i32
        %swap3A_250 = arith.index_cast %scan3A_93 : i32 to index
        %swap3A_251 = arith.index_cast %swap3A_249 : i32 to index
        %swap3A_252 = arith.constant 64 : index
        %swap3A_253 = tpu.vector_load %arg12[%swap3A_250, %swap3A_251, %swap3A_252] {strides = array<i32>} : memref<16x5x200xf32, #tpu.memory_space<vmem>>, vector<16xf32>,
        tpu.vector_store %arg12[%swap3A_250, %swap3A_251, %swap3A_252], %gather3A_203 {strides = array<i32>} : memref<16x5x200xf32, #tpu.memory_space<vmem>>, vector<16xf32>,
        %swap3A_254 = arith.constant 3 : i32
        %swap3A_255 = arith.index_cast %scan3A_93 : i32 to index
        %swap3A_256 = arith.index_cast %swap3A_254 : i32 to index
        %swap3A_257 = arith.constant 64 : index
        %swap3A_258 = tpu.vector_load %arg12[%swap3A_255, %swap3A_256, %swap3A_257] {strides = array<i32>} : memref<16x5x200xf32, #tpu.memory_space<vmem>>, vector<16xf32>,
        tpu.vector_store %arg12[%swap3A_255, %swap3A_256, %swap3A_257], %gather3A_204 {strides = array<i32>} : memref<16x5x200xf32, #tpu.memory_space<vmem>>, vector<16xf32>,
        %swap3A_259 = arith.constant 4 : i32
        %swap3A_260 = arith.index_cast %scan3A_93 : i32 to index
        %swap3A_261 = arith.index_cast %swap3A_259 : i32 to index
        %swap3A_262 = arith.constant 64 : index
        %swap3A_263 = tpu.vector_load %arg12[%swap3A_260, %swap3A_261, %swap3A_262] {strides = array<i32>} : memref<16x5x200xf32, #tpu.memory_space<vmem>>, vector<16xf32>,
        tpu.vector_store %arg12[%swap3A_260, %swap3A_261, %swap3A_262], %gather3A_205 {strides = array<i32>} : memref<16x5x200xf32, #tpu.memory_space<vmem>>, vector<16xf32>,
        %get3A_264 = arith.index_cast %scan3A_93 : i32 to index
        %get3A_265 = arith.constant 96 : index
        %get3A_266 = tpu.vector_load %arg10[%get3A_264, %get3A_265] {strides = array<i32>} : memref<16x200xi32, #tpu.memory_space<vmem>>, vector<16xi32>,
        %gather3A_267 = tpu.vector_load_idx %arg5[%get3A_266] : memref<48xf32, #tpu.memory_space<vmem>>[vector<16xi32>], vector<16xf32>,
        %gather3A_268 = tpu.vector_load_idx %arg6[%get3A_266] : memref<48xf32, #tpu.memory_space<vmem>>[vector<16xi32>], vector<16xf32>,
        %gather3A_269 = tpu.vector_load_idx %arg7[%get3A_266] : memref<48xf32, #tpu.memory_space<vmem>>[vector<16xi32>], vector<16xf32>,
        %gather3A_270 = tpu.vector_load_idx %arg8[%get3A_266] : memref<48xf32, #tpu.memory_space<vmem>>[vector<16xi32>], vector<16xf32>,
        %gather3A_271 = tpu.vector_load_idx %arg9[%get3A_266] : memref<48xf32, #tpu.memory_space<vmem>>[vector<16xi32>], vector<16xf32>,
        %swap3A_272 = arith.constant 0 : i32
        %swap3A_273 = arith.index_cast %scan3A_93 : i32 to index
        %swap3A_274 = arith.index_cast %swap3A_272 : i32 to index
        %swap3A_275 = arith.constant 80 : index
        %swap3A_276 = tpu.vector_load %arg12[%swap3A_273, %swap3A_274, %swap3A_275] {strides = array<i32>} : memref<16x5x200xf32, #tpu.memory_space<vmem>>, vector<16xf32>,
        tpu.vector_store %arg12[%swap3A_273, %swap3A_274, %swap3A_275], %gather3A_234 {strides = array<i32>} : memref<16x5x200xf32, #tpu.memory_space<vmem>>, vector<16xf32>,
        %swap3A_277 = arith.constant 1 : i32
        %swap3A_278 = arith.index_cast %scan3A_93 : i32 to index
        %swap3A_279 = arith.index_cast %swap3A_277 : i32 to index
        %swap3A_280 = arith.constant 80 : index
        %swap3A_281 = tpu.vector_load %arg12[%swap3A_278, %swap3A_279, %swap3A_280] {strides = array<i32>} : memref<16x5x200xf32, #tpu.memory_space<vmem>>, vector<16xf32>,
        tpu.vector_store %arg12[%swap3A_278, %swap3A_279, %swap3A_280], %gather3A_235 {strides = array<i32>} : memref<16x5x200xf32, #tpu.memory_space<vmem>>, vector<16xf32>,
        %swap3A_282 = arith.constant 2 : i32
        %swap3A_283 = arith.index_cast %scan3A_93 : i32 to index
        %swap3A_284 = arith.index_cast %swap3A_282 : i32 to index
        %swap3A_285 = arith.constant 80 : index
        %swap3A_286 = tpu.vector_load %arg12[%swap3A_283, %swap3A_284, %swap3A_285] {strides = array<i32>} : memref<16x5x200xf32, #tpu.memory_space<vmem>>, vector<16xf32>,
        tpu.vector_store %arg12[%swap3A_283, %swap3A_284, %swap3A_285], %gather3A_236 {strides = array<i32>} : memref<16x5x200xf32, #tpu.memory_space<vmem>>, vector<16xf32>,
        %swap3A_287 = arith.constant 3 : i32
        %swap3A_288 = arith.index_cast %scan3A_93 : i32 to index
        %swap3A_289 = arith.index_cast %swap3A_287 : i32 to index
        %swap3A_290 = arith.constant 80 : index
        %swap3A_291 = tpu.vector_load %arg12[%swap3A_288, %swap3A_289, %swap3A_290] {strides = array<i32>} : memref<16x5x200xf32, #tpu.memory_space<vmem>>, vector<16xf32>,
        tpu.vector_store %arg12[%swap3A_288, %swap3A_289, %swap3A_290], %gather3A_237 {strides = array<i32>} : memref<16x5x200xf32, #tpu.memory_space<vmem>>, vector<16xf32>,
        %swap3A_292 = arith.constant 4 : i32
        %swap3A_293 = arith.index_cast %scan3A_93 : i32 to index
        %swap3A_294 = arith.index_cast %swap3A_292 : i32 to index
        %swap3A_295 = arith.constant 80 : index
        %swap3A_296 = tpu.vector_load %arg12[%swap3A_293, %swap3A_294, %swap3A_295] {strides = array<i32>} : memref<16x5x200xf32, #tpu.memory_space<vmem>>, vector<16xf32>,
        tpu.vector_store %arg12[%swap3A_293, %swap3A_294, %swap3A_295], %gather3A_238 {strides = array<i32>} : memref<16x5x200xf32, #tpu.memory_space<vmem>>, vector<16xf32>,
        %get3A_297 = arith.index_cast %scan3A_93 : i32 to index
        %get3A_298 = arith.constant 112 : index
        %get3A_299 = tpu.vector_load %arg10[%get3A_297, %get3A_298] {strides = array<i32>} : memref<16x200xi32, #tpu.memory_space<vmem>>, vector<16xi32>,
        %gather3A_300 = tpu.vector_load_idx %arg5[%get3A_299] : memref<48xf32, #tpu.memory_space<vmem>>[vector<16xi32>], vector<16xf32>,
        %gather3A_301 = tpu.vector_load_idx %arg6[%get3A_299] : memref<48xf32, #tpu.memory_space<vmem>>[vector<16xi32>], vector<16xf32>,
        %gather3A_302 = tpu.vector_load_idx %arg7[%get3A_299] : memref<48xf32, #tpu.memory_space<vmem>>[vector<16xi32>], vector<16xf32>,
        %gather3A_303 = tpu.vector_load_idx %arg8[%get3A_299] : memref<48xf32, #tpu.memory_space<vmem>>[vector<16xi32>], vector<16xf32>,
        %gather3A_304 = tpu.vector_load_idx %arg9[%get3A_299] : memref<48xf32, #tpu.memory_space<vmem>>[vector<16xi32>], vector<16xf32>,
        %swap3A_305 = arith.constant 0 : i32
        %swap3A_306 = arith.index_cast %scan3A_93 : i32 to index
        %swap3A_307 = arith.index_cast %swap3A_305 : i32 to index
        %swap3A_308 = arith.constant 96 : index
        %swap3A_309 = tpu.vector_load %arg12[%swap3A_306, %swap3A_307, %swap3A_308] {strides = array<i32>} : memref<16x5x200xf32, #tpu.memory_space<vmem>>, vector<16xf32>,
        tpu.vector_store %arg12[%swap3A_306, %swap3A_307, %swap3A_308], %gather3A_267 {strides = array<i32>} : memref<16x5x200xf32, #tpu.memory_space<vmem>>, vector<16xf32>,
        %swap3A_310 = arith.constant 1 : i32
        %swap3A_311 = arith.index_cast %scan3A_93 : i32 to index
        %swap3A_312 = arith.index_cast %swap3A_310 : i32 to index
        %swap3A_313 = arith.constant 96 : index
        %swap3A_314 = tpu.vector_load %arg12[%swap3A_311, %swap3A_312, %swap3A_313] {strides = array<i32>} : memref<16x5x200xf32, #tpu.memory_space<vmem>>, vector<16xf32>,
        tpu.vector_store %arg12[%swap3A_311, %swap3A_312, %swap3A_313], %gather3A_268 {strides = array<i32>} : memref<16x5x200xf32, #tpu.memory_space<vmem>>, vector<16xf32>,
        %swap3A_315 = arith.constant 2 : i32
        %swap3A_316 = arith.index_cast %scan3A_93 : i32 to index
        %swap3A_317 = arith.index_cast %swap3A_315 : i32 to index
        %swap3A_318 = arith.constant 96 : index
        %swap3A_319 = tpu.vector_load %arg12[%swap3A_316, %swap3A_317, %swap3A_318] {strides = array<i32>} : memref<16x5x200xf32, #tpu.memory_space<vmem>>, vector<16xf32>,
        tpu.vector_store %arg12[%swap3A_316, %swap3A_317, %swap3A_318], %gather3A_269 {strides = array<i32>} : memref<16x5x200xf32, #tpu.memory_space<vmem>>, vector<16xf32>,
        %swap3A_320 = arith.constant 3 : i32
        %swap3A_321 = arith.index_cast %scan3A_93 : i32 to index
        %swap3A_322 = arith.index_cast %swap3A_320 : i32 to index
        %swap3A_323 = arith.constant 96 : index
        %swap3A_324 = tpu.vector_load %arg12[%swap3A_321, %swap3A_322, %swap3A_323] {strides = array<i32>} : memref<16x5x200xf32, #tpu.memory_space<vmem>>, vector<16xf32>,
        tpu.vector_store %arg12[%swap3A_321, %swap3A_322, %swap3A_323], %gather3A_270 {strides = array<i32>} : memref<16x5x200xf32, #tpu.memory_space<vmem>>, vector<16xf32>,
        %swap3A_325 = arith.constant 4 : i32
        %swap3A_326 = arith.index_cast %scan3A_93 : i32 to index
        %swap3A_327 = arith.index_cast %swap3A_325 : i32 to index
        %swap3A_328 = arith.constant 96 : index
        %swap3A_329 = tpu.vector_load %arg12[%swap3A_326, %swap3A_327, %swap3A_328] {strides = array<i32>} : memref<16x5x200xf32, #tpu.memory_space<vmem>>, vector<16xf32>,
        tpu.vector_store %arg12[%swap3A_326, %swap3A_327, %swap3A_328], %gather3A_271 {strides = array<i32>} : memref<16x5x200xf32, #tpu.memory_space<vmem>>, vector<16xf32>,
        %get3A_330 = arith.index_cast %scan3A_93 : i32 to index
        %get3A_331 = arith.constant 128 : index
        %get3A_332 = tpu.vector_load %arg10[%get3A_330, %get3A_331] {strides = array<i32>} : memref<16x200xi32, #tpu.memory_space<vmem>>, vector<16xi32>,
        %gather3A_333 = tpu.vector_load_idx %arg5[%get3A_332] : memref<48xf32, #tpu.memory_space<vmem>>[vector<16xi32>], vector<16xf32>,
        %gather3A_334 = tpu.vector_load_idx %arg6[%get3A_332] : memref<48xf32, #tpu.memory_space<vmem>>[vector<16xi32>], vector<16xf32>,
        %gather3A_335 = tpu.vector_load_idx %arg7[%get3A_332] : memref<48xf32, #tpu.memory_space<vmem>>[vector<16xi32>], vector<16xf32>,
        %gather3A_336 = tpu.vector_load_idx %arg8[%get3A_332] : memref<48xf32, #tpu.memory_space<vmem>>[vector<16xi32>], vector<16xf32>,
        %gather3A_337 = tpu.vector_load_idx %arg9[%get3A_332] : memref<48xf32, #tpu.memory_space<vmem>>[vector<16xi32>], vector<16xf32>,
        %swap3A_338 = arith.constant 0 : i32
        %swap3A_339 = arith.index_cast %scan3A_93 : i32 to index
        %swap3A_340 = arith.index_cast %swap3A_338 : i32 to index
        %swap3A_341 = arith.constant 112 : index
        %swap3A_342 = tpu.vector_load %arg12[%swap3A_339, %swap3A_340, %swap3A_341] {strides = array<i32>} : memref<16x5x200xf32, #tpu.memory_space<vmem>>, vector<16xf32>,
        tpu.vector_store %arg12[%swap3A_339, %swap3A_340, %swap3A_341], %gather3A_300 {strides = array<i32>} : memref<16x5x200xf32, #tpu.memory_space<vmem>>, vector<16xf32>,
        %swap3A_343 = arith.constant 1 : i32
        %swap3A_344 = arith.index_cast %scan3A_93 : i32 to index
        %swap3A_345 = arith.index_cast %swap3A_343 : i32 to index
        %swap3A_346 = arith.constant 112 : index
        %swap3A_347 = tpu.vector_load %arg12[%swap3A_344, %swap3A_345, %swap3A_346] {strides = array<i32>} : memref<16x5x200xf32, #tpu.memory_space<vmem>>, vector<16xf32>,
        tpu.vector_store %arg12[%swap3A_344, %swap3A_345, %swap3A_346], %gather3A_301 {strides = array<i32>} : memref<16x5x200xf32, #tpu.memory_space<vmem>>, vector<16xf32>,
        %swap3A_348 = arith.constant 2 : i32
        %swap3A_349 = arith.index_cast %scan3A_93 : i32 to index
        %swap3A_350 = arith.index_cast %swap3A_348 : i32 to index
        %swap3A_351 = arith.constant 112 : index
        %swap3A_352 = tpu.vector_load %arg12[%swap3A_349, %swap3A_350, %swap3A_351] {strides = array<i32>} : memref<16x5x200xf32, #tpu.memory_space<vmem>>, vector<16xf32>,
        tpu.vector_store %arg12[%swap3A_349, %swap3A_350, %swap3A_351], %gather3A_302 {strides = array<i32>} : memref<16x5x200xf32, #tpu.memory_space<vmem>>, vector<16xf32>,
        %swap3A_353 = arith.constant 3 : i32
        %swap3A_354 = arith.index_cast %scan3A_93 : i32 to index
        %swap3A_355 = arith.index_cast %swap3A_353 : i32 to index
        %swap3A_356 = arith.constant 112 : index
        %swap3A_357 = tpu.vector_load %arg12[%swap3A_354, %swap3A_355, %swap3A_356] {strides = array<i32>} : memref<16x5x200xf32, #tpu.memory_space<vmem>>, vector<16xf32>,
        tpu.vector_store %arg12[%swap3A_354, %swap3A_355, %swap3A_356], %gather3A_303 {strides = array<i32>} : memref<16x5x200xf32, #tpu.memory_space<vmem>>, vector<16xf32>,
        %swap3A_358 = arith.constant 4 : i32
        %swap3A_359 = arith.index_cast %scan3A_93 : i32 to index
        %swap3A_360 = arith.index_cast %swap3A_358 : i32 to index
        %swap3A_361 = arith.constant 112 : index
        %swap3A_362 = tpu.vector_load %arg12[%swap3A_359, %swap3A_360, %swap3A_361] {strides = array<i32>} : memref<16x5x200xf32, #tpu.memory_space<vmem>>, vector<16xf32>,
        tpu.vector_store %arg12[%swap3A_359, %swap3A_360, %swap3A_361], %gather3A_304 {strides = array<i32>} : memref<16x5x200xf32, #tpu.memory_space<vmem>>, vector<16xf32>,
        %get3A_363 = arith.index_cast %scan3A_93 : i32 to index
        %get3A_364 = arith.constant 144 : index
        %get3A_365 = tpu.vector_load %arg10[%get3A_363, %get3A_364] {strides = array<i32>} : memref<16x200xi32, #tpu.memory_space<vmem>>, vector<16xi32>,
        %gather3A_366 = tpu.vector_load_idx %arg5[%get3A_365] : memref<48xf32, #tpu.memory_space<vmem>>[vector<16xi32>], vector<16xf32>,
        %gather3A_367 = tpu.vector_load_idx %arg6[%get3A_365] : memref<48xf32, #tpu.memory_space<vmem>>[vector<16xi32>], vector<16xf32>,
        %gather3A_368 = tpu.vector_load_idx %arg7[%get3A_365] : memref<48xf32, #tpu.memory_space<vmem>>[vector<16xi32>], vector<16xf32>,
        %gather3A_369 = tpu.vector_load_idx %arg8[%get3A_365] : memref<48xf32, #tpu.memory_space<vmem>>[vector<16xi32>], vector<16xf32>,
        %gather3A_370 = tpu.vector_load_idx %arg9[%get3A_365] : memref<48xf32, #tpu.memory_space<vmem>>[vector<16xi32>], vector<16xf32>,
        %swap3A_371 = arith.constant 0 : i32
        %swap3A_372 = arith.index_cast %scan3A_93 : i32 to index
        %swap3A_373 = arith.index_cast %swap3A_371 : i32 to index
        %swap3A_374 = arith.constant 128 : index
        %swap3A_375 = tpu.vector_load %arg12[%swap3A_372, %swap3A_373, %swap3A_374] {strides = array<i32>} : memref<16x5x200xf32, #tpu.memory_space<vmem>>, vector<16xf32>,
        tpu.vector_store %arg12[%swap3A_372, %swap3A_373, %swap3A_374], %gather3A_333 {strides = array<i32>} : memref<16x5x200xf32, #tpu.memory_space<vmem>>, vector<16xf32>,
        %swap3A_376 = arith.constant 1 : i32
        %swap3A_377 = arith.index_cast %scan3A_93 : i32 to index
        %swap3A_378 = arith.index_cast %swap3A_376 : i32 to index
        %swap3A_379 = arith.constant 128 : index
        %swap3A_380 = tpu.vector_load %arg12[%swap3A_377, %swap3A_378, %swap3A_379] {strides = array<i32>} : memref<16x5x200xf32, #tpu.memory_space<vmem>>, vector<16xf32>,
        tpu.vector_store %arg12[%swap3A_377, %swap3A_378, %swap3A_379], %gather3A_334 {strides = array<i32>} : memref<16x5x200xf32, #tpu.memory_space<vmem>>, vector<16xf32>,
        %swap3A_381 = arith.constant 2 : i32
        %swap3A_382 = arith.index_cast %scan3A_93 : i32 to index
        %swap3A_383 = arith.index_cast %swap3A_381 : i32 to index
        %swap3A_384 = arith.constant 128 : index
        %swap3A_385 = tpu.vector_load %arg12[%swap3A_382, %swap3A_383, %swap3A_384] {strides = array<i32>} : memref<16x5x200xf32, #tpu.memory_space<vmem>>, vector<16xf32>,
        tpu.vector_store %arg12[%swap3A_382, %swap3A_383, %swap3A_384], %gather3A_335 {strides = array<i32>} : memref<16x5x200xf32, #tpu.memory_space<vmem>>, vector<16xf32>,
        %swap3A_386 = arith.constant 3 : i32
        %swap3A_387 = arith.index_cast %scan3A_93 : i32 to index
        %swap3A_388 = arith.index_cast %swap3A_386 : i32 to index
        %swap3A_389 = arith.constant 128 : index
        %swap3A_390 = tpu.vector_load %arg12[%swap3A_387, %swap3A_388, %swap3A_389] {strides = array<i32>} : memref<16x5x200xf32, #tpu.memory_space<vmem>>, vector<16xf32>,
        tpu.vector_store %arg12[%swap3A_387, %swap3A_388, %swap3A_389], %gather3A_336 {strides = array<i32>} : memref<16x5x200xf32, #tpu.memory_space<vmem>>, vector<16xf32>,
        %swap3A_391 = arith.constant 4 : i32
        %swap3A_392 = arith.index_cast %scan3A_93 : i32 to index
        %swap3A_393 = arith.index_cast %swap3A_391 : i32 to index
        %swap3A_394 = arith.constant 128 : index
        %swap3A_395 = tpu.vector_load %arg12[%swap3A_392, %swap3A_393, %swap3A_394] {strides = array<i32>} : memref<16x5x200xf32, #tpu.memory_space<vmem>>, vector<16xf32>,
        tpu.vector_store %arg12[%swap3A_392, %swap3A_393, %swap3A_394], %gather3A_337 {strides = array<i32>} : memref<16x5x200xf32, #tpu.memory_space<vmem>>, vector<16xf32>,
        %get3A_396 = arith.index_cast %scan3A_93 : i32 to index
        %get3A_397 = arith.constant 160 : index
        %get3A_398 = tpu.vector_load %arg10[%get3A_396, %get3A_397] {strides = array<i32>} : memref<16x200xi32, #tpu.memory_space<vmem>>, vector<16xi32>,
        %gather3A_399 = tpu.vector_load_idx %arg5[%get3A_398] : memref<48xf32, #tpu.memory_space<vmem>>[vector<16xi32>], vector<16xf32>,
        %gather3A_400 = tpu.vector_load_idx %arg6[%get3A_398] : memref<48xf32, #tpu.memory_space<vmem>>[vector<16xi32>], vector<16xf32>,
        %gather3A_401 = tpu.vector_load_idx %arg7[%get3A_398] : memref<48xf32, #tpu.memory_space<vmem>>[vector<16xi32>], vector<16xf32>,
        %gather3A_402 = tpu.vector_load_idx %arg8[%get3A_398] : memref<48xf32, #tpu.memory_space<vmem>>[vector<16xi32>], vector<16xf32>,
        %gather3A_403 = tpu.vector_load_idx %arg9[%get3A_398] : memref<48xf32, #tpu.memory_space<vmem>>[vector<16xi32>], vector<16xf32>,
        %swap3A_404 = arith.constant 0 : i32
        %swap3A_405 = arith.index_cast %scan3A_93 : i32 to index
        %swap3A_406 = arith.index_cast %swap3A_404 : i32 to index
        %swap3A_407 = arith.constant 144 : index
        %swap3A_408 = tpu.vector_load %arg12[%swap3A_405, %swap3A_406, %swap3A_407] {strides = array<i32>} : memref<16x5x200xf32, #tpu.memory_space<vmem>>, vector<16xf32>,
        tpu.vector_store %arg12[%swap3A_405, %swap3A_406, %swap3A_407], %gather3A_366 {strides = array<i32>} : memref<16x5x200xf32, #tpu.memory_space<vmem>>, vector<16xf32>,
        %swap3A_409 = arith.constant 1 : i32
        %swap3A_410 = arith.index_cast %scan3A_93 : i32 to index
        %swap3A_411 = arith.index_cast %swap3A_409 : i32 to index
        %swap3A_412 = arith.constant 144 : index
        %swap3A_413 = tpu.vector_load %arg12[%swap3A_410, %swap3A_411, %swap3A_412] {strides = array<i32>} : memref<16x5x200xf32, #tpu.memory_space<vmem>>, vector<16xf32>,
        tpu.vector_store %arg12[%swap3A_410, %swap3A_411, %swap3A_412], %gather3A_367 {strides = array<i32>} : memref<16x5x200xf32, #tpu.memory_space<vmem>>, vector<16xf32>,
        %swap3A_414 = arith.constant 2 : i32
        %swap3A_415 = arith.index_cast %scan3A_93 : i32 to index
        %swap3A_416 = arith.index_cast %swap3A_414 : i32 to index
        %swap3A_417 = arith.constant 144 : index
        %swap3A_418 = tpu.vector_load %arg12[%swap3A_415, %swap3A_416, %swap3A_417] {strides = array<i32>} : memref<16x5x200xf32, #tpu.memory_space<vmem>>, vector<16xf32>,
        tpu.vector_store %arg12[%swap3A_415, %swap3A_416, %swap3A_417], %gather3A_368 {strides = array<i32>} : memref<16x5x200xf32, #tpu.memory_space<vmem>>, vector<16xf32>,
        %swap3A_419 = arith.constant 3 : i32
        %swap3A_420 = arith.index_cast %scan3A_93 : i32 to index
        %swap3A_421 = arith.index_cast %swap3A_419 : i32 to index
        %swap3A_422 = arith.constant 144 : index
        %swap3A_423 = tpu.vector_load %arg12[%swap3A_420, %swap3A_421, %swap3A_422] {strides = array<i32>} : memref<16x5x200xf32, #tpu.memory_space<vmem>>, vector<16xf32>,
        tpu.vector_store %arg12[%swap3A_420, %swap3A_421, %swap3A_422], %gather3A_369 {strides = array<i32>} : memref<16x5x200xf32, #tpu.memory_space<vmem>>, vector<16xf32>,
        %swap3A_424 = arith.constant 4 : i32
        %swap3A_425 = arith.index_cast %scan3A_93 : i32 to index
        %swap3A_426 = arith.index_cast %swap3A_424 : i32 to index
        %swap3A_427 = arith.constant 144 : index
        %swap3A_428 = tpu.vector_load %arg12[%swap3A_425, %swap3A_426, %swap3A_427] {strides = array<i32>} : memref<16x5x200xf32, #tpu.memory_space<vmem>>, vector<16xf32>,
        tpu.vector_store %arg12[%swap3A_425, %swap3A_426, %swap3A_427], %gather3A_370 {strides = array<i32>} : memref<16x5x200xf32, #tpu.memory_space<vmem>>, vector<16xf32>,
        %get3A_429 = arith.index_cast %scan3A_93 : i32 to index
        %get3A_430 = arith.constant 176 : index
        %get3A_431 = tpu.vector_load %arg10[%get3A_429, %get3A_430] {strides = array<i32>} : memref<16x200xi32, #tpu.memory_space<vmem>>, vector<16xi32>,
        %gather3A_432 = tpu.vector_load_idx %arg5[%get3A_431] : memref<48xf32, #tpu.memory_space<vmem>>[vector<16xi32>], vector<16xf32>,
        %gather3A_433 = tpu.vector_load_idx %arg6[%get3A_431] : memref<48xf32, #tpu.memory_space<vmem>>[vector<16xi32>], vector<16xf32>,
        %gather3A_434 = tpu.vector_load_idx %arg7[%get3A_431] : memref<48xf32, #tpu.memory_space<vmem>>[vector<16xi32>], vector<16xf32>,
        %gather3A_435 = tpu.vector_load_idx %arg8[%get3A_431] : memref<48xf32, #tpu.memory_space<vmem>>[vector<16xi32>], vector<16xf32>,
        %gather3A_436 = tpu.vector_load_idx %arg9[%get3A_431] : memref<48xf32, #tpu.memory_space<vmem>>[vector<16xi32>], vector<16xf32>,
        %swap3A_437 = arith.constant 0 : i32
        %swap3A_438 = arith.index_cast %scan3A_93 : i32 to index
        %swap3A_439 = arith.index_cast %swap3A_437 : i32 to index
        %swap3A_440 = arith.constant 160 : index
        %swap3A_441 = tpu.vector_load %arg12[%swap3A_438, %swap3A_439, %swap3A_440] {strides = array<i32>} : memref<16x5x200xf32, #tpu.memory_space<vmem>>, vector<16xf32>,
        tpu.vector_store %arg12[%swap3A_438, %swap3A_439, %swap3A_440], %gather3A_399 {strides = array<i32>} : memref<16x5x200xf32, #tpu.memory_space<vmem>>, vector<16xf32>,
        %swap3A_442 = arith.constant 1 : i32
        %swap3A_443 = arith.index_cast %scan3A_93 : i32 to index
        %swap3A_444 = arith.index_cast %swap3A_442 : i32 to index
        %swap3A_445 = arith.constant 160 : index
        %swap3A_446 = tpu.vector_load %arg12[%swap3A_443, %swap3A_444, %swap3A_445] {strides = array<i32>} : memref<16x5x200xf32, #tpu.memory_space<vmem>>, vector<16xf32>,
        tpu.vector_store %arg12[%swap3A_443, %swap3A_444, %swap3A_445], %gather3A_400 {strides = array<i32>} : memref<16x5x200xf32, #tpu.memory_space<vmem>>, vector<16xf32>,
        %swap3A_447 = arith.constant 2 : i32
        %swap3A_448 = arith.index_cast %scan3A_93 : i32 to index
        %swap3A_449 = arith.index_cast %swap3A_447 : i32 to index
        %swap3A_450 = arith.constant 160 : index
        %swap3A_451 = tpu.vector_load %arg12[%swap3A_448, %swap3A_449, %swap3A_450] {strides = array<i32>} : memref<16x5x200xf32, #tpu.memory_space<vmem>>, vector<16xf32>,
        tpu.vector_store %arg12[%swap3A_448, %swap3A_449, %swap3A_450], %gather3A_401 {strides = array<i32>} : memref<16x5x200xf32, #tpu.memory_space<vmem>>, vector<16xf32>,
        %swap3A_452 = arith.constant 3 : i32
        %swap3A_453 = arith.index_cast %scan3A_93 : i32 to index
        %swap3A_454 = arith.index_cast %swap3A_452 : i32 to index
        %swap3A_455 = arith.constant 160 : index
        %swap3A_456 = tpu.vector_load %arg12[%swap3A_453, %swap3A_454, %swap3A_455] {strides = array<i32>} : memref<16x5x200xf32, #tpu.memory_space<vmem>>, vector<16xf32>,
        tpu.vector_store %arg12[%swap3A_453, %swap3A_454, %swap3A_455], %gather3A_402 {strides = array<i32>} : memref<16x5x200xf32, #tpu.memory_space<vmem>>, vector<16xf32>,
        %swap3A_457 = arith.constant 4 : i32
        %swap3A_458 = arith.index_cast %scan3A_93 : i32 to index
        %swap3A_459 = arith.index_cast %swap3A_457 : i32 to index
        %swap3A_460 = arith.constant 160 : index
        %swap3A_461 = tpu.vector_load %arg12[%swap3A_458, %swap3A_459, %swap3A_460] {strides = array<i32>} : memref<16x5x200xf32, #tpu.memory_space<vmem>>, vector<16xf32>,
        tpu.vector_store %arg12[%swap3A_458, %swap3A_459, %swap3A_460], %gather3A_403 {strides = array<i32>} : memref<16x5x200xf32, #tpu.memory_space<vmem>>, vector<16xf32>,
        %get3A_462 = arith.index_cast %scan3A_93 : i32 to index
        %get3A_463 = arith.constant 184 : index
        %get3A_464 = tpu.vector_load %arg10[%get3A_462, %get3A_463] {strides = array<i32>} : memref<16x200xi32, #tpu.memory_space<vmem>>, vector<16xi32>,
        %gather3A_465 = tpu.vector_load_idx %arg5[%get3A_464] : memref<48xf32, #tpu.memory_space<vmem>>[vector<16xi32>], vector<16xf32>,
        %gather3A_466 = tpu.vector_load_idx %arg6[%get3A_464] : memref<48xf32, #tpu.memory_space<vmem>>[vector<16xi32>], vector<16xf32>,
        %gather3A_467 = tpu.vector_load_idx %arg7[%get3A_464] : memref<48xf32, #tpu.memory_space<vmem>>[vector<16xi32>], vector<16xf32>,
        %gather3A_468 = tpu.vector_load_idx %arg8[%get3A_464] : memref<48xf32, #tpu.memory_space<vmem>>[vector<16xi32>], vector<16xf32>,
        %gather3A_469 = tpu.vector_load_idx %arg9[%get3A_464] : memref<48xf32, #tpu.memory_space<vmem>>[vector<16xi32>], vector<16xf32>,
        %swap3A_470 = arith.constant 0 : i32
        %swap3A_471 = arith.index_cast %scan3A_93 : i32 to index
        %swap3A_472 = arith.index_cast %swap3A_470 : i32 to index
        %swap3A_473 = arith.constant 176 : index
        %swap3A_474 = tpu.vector_load %arg12[%swap3A_471, %swap3A_472, %swap3A_473] {strides = array<i32>} : memref<16x5x200xf32, #tpu.memory_space<vmem>>, vector<16xf32>,
        tpu.vector_store %arg12[%swap3A_471, %swap3A_472, %swap3A_473], %gather3A_432 {strides = array<i32>} : memref<16x5x200xf32, #tpu.memory_space<vmem>>, vector<16xf32>,
        %swap3A_475 = arith.constant 1 : i32
        %swap3A_476 = arith.index_cast %scan3A_93 : i32 to index
        %swap3A_477 = arith.index_cast %swap3A_475 : i32 to index
        %swap3A_478 = arith.constant 176 : index
        %swap3A_479 = tpu.vector_load %arg12[%swap3A_476, %swap3A_477, %swap3A_478] {strides = array<i32>} : memref<16x5x200xf32, #tpu.memory_space<vmem>>, vector<16xf32>,
        tpu.vector_store %arg12[%swap3A_476, %swap3A_477, %swap3A_478], %gather3A_433 {strides = array<i32>} : memref<16x5x200xf32, #tpu.memory_space<vmem>>, vector<16xf32>,
        %swap3A_480 = arith.constant 2 : i32
        %swap3A_481 = arith.index_cast %scan3A_93 : i32 to index
        %swap3A_482 = arith.index_cast %swap3A_480 : i32 to index
        %swap3A_483 = arith.constant 176 : index
        %swap3A_484 = tpu.vector_load %arg12[%swap3A_481, %swap3A_482, %swap3A_483] {strides = array<i32>} : memref<16x5x200xf32, #tpu.memory_space<vmem>>, vector<16xf32>,
        tpu.vector_store %arg12[%swap3A_481, %swap3A_482, %swap3A_483], %gather3A_434 {strides = array<i32>} : memref<16x5x200xf32, #tpu.memory_space<vmem>>, vector<16xf32>,
        %swap3A_485 = arith.constant 3 : i32
        %swap3A_486 = arith.index_cast %scan3A_93 : i32 to index
        %swap3A_487 = arith.index_cast %swap3A_485 : i32 to index
        %swap3A_488 = arith.constant 176 : index
        %swap3A_489 = tpu.vector_load %arg12[%swap3A_486, %swap3A_487, %swap3A_488] {strides = array<i32>} : memref<16x5x200xf32, #tpu.memory_space<vmem>>, vector<16xf32>,
        tpu.vector_store %arg12[%swap3A_486, %swap3A_487, %swap3A_488], %gather3A_435 {strides = array<i32>} : memref<16x5x200xf32, #tpu.memory_space<vmem>>, vector<16xf32>,
        %swap3A_490 = arith.constant 4 : i32
        %swap3A_491 = arith.index_cast %scan3A_93 : i32 to index
        %swap3A_492 = arith.index_cast %swap3A_490 : i32 to index
        %swap3A_493 = arith.constant 176 : index
        %swap3A_494 = tpu.vector_load %arg12[%swap3A_491, %swap3A_492, %swap3A_493] {strides = array<i32>} : memref<16x5x200xf32, #tpu.memory_space<vmem>>, vector<16xf32>,
        tpu.vector_store %arg12[%swap3A_491, %swap3A_492, %swap3A_493], %gather3A_436 {strides = array<i32>} : memref<16x5x200xf32, #tpu.memory_space<vmem>>, vector<16xf32>,
        %swap3A_495 = arith.constant 0 : i32
        %swap3A_496 = arith.index_cast %scan3A_93 : i32 to index
        %swap3A_497 = arith.index_cast %swap3A_495 : i32 to index
        %swap3A_498 = arith.constant 184 : index
        %swap3A_499 = tpu.vector_load %arg12[%swap3A_496, %swap3A_497, %swap3A_498] {strides = array<i32>} : memref<16x5x200xf32, #tpu.memory_space<vmem>>, vector<16xf32>,
        tpu.vector_store %arg12[%swap3A_496, %swap3A_497, %swap3A_498], %gather3A_465 {strides = array<i32>} : memref<16x5x200xf32, #tpu.memory_space<vmem>>, vector<16xf32>,
        %swap3A_500 = arith.constant 1 : i32
        %swap3A_501 = arith.index_cast %scan3A_93 : i32 to index
        %swap3A_502 = arith.index_cast %swap3A_500 : i32 to index
        %swap3A_503 = arith.constant 184 : index
        %swap3A_504 = tpu.vector_load %arg12[%swap3A_501, %swap3A_502, %swap3A_503] {strides = array<i32>} : memref<16x5x200xf32, #tpu.memory_space<vmem>>, vector<16xf32>,
        tpu.vector_store %arg12[%swap3A_501, %swap3A_502, %swap3A_503], %gather3A_466 {strides = array<i32>} : memref<16x5x200xf32, #tpu.memory_space<vmem>>, vector<16xf32>,
        %swap3A_505 = arith.constant 2 : i32
        %swap3A_506 = arith.index_cast %scan3A_93 : i32 to index
        %swap3A_507 = arith.index_cast %swap3A_505 : i32 to index
        %swap3A_508 = arith.constant 184 : index
        %swap3A_509 = tpu.vector_load %arg12[%swap3A_506, %swap3A_507, %swap3A_508] {strides = array<i32>} : memref<16x5x200xf32, #tpu.memory_space<vmem>>, vector<16xf32>,
        tpu.vector_store %arg12[%swap3A_506, %swap3A_507, %swap3A_508], %gather3A_467 {strides = array<i32>} : memref<16x5x200xf32, #tpu.memory_space<vmem>>, vector<16xf32>,
        %swap3A_510 = arith.constant 3 : i32
        %swap3A_511 = arith.index_cast %scan3A_93 : i32 to index
        %swap3A_512 = arith.index_cast %swap3A_510 : i32 to index
        %swap3A_513 = arith.constant 184 : index
        %swap3A_514 = tpu.vector_load %arg12[%swap3A_511, %swap3A_512, %swap3A_513] {strides = array<i32>} : memref<16x5x200xf32, #tpu.memory_space<vmem>>, vector<16xf32>,
        tpu.vector_store %arg12[%swap3A_511, %swap3A_512, %swap3A_513], %gather3A_468 {strides = array<i32>} : memref<16x5x200xf32, #tpu.memory_space<vmem>>, vector<16xf32>,
        %swap3A_515 = arith.constant 4 : i32
        %swap3A_516 = arith.index_cast %scan3A_93 : i32 to index
        %swap3A_517 = arith.index_cast %swap3A_515 : i32 to index
        %swap3A_518 = arith.constant 184 : index
        %swap3A_519 = tpu.vector_load %arg12[%swap3A_516, %swap3A_517, %swap3A_518] {strides = array<i32>} : memref<16x5x200xf32, #tpu.memory_space<vmem>>, vector<16xf32>,
        tpu.vector_store %arg12[%swap3A_516, %swap3A_517, %swap3A_518], %gather3A_469 {strides = array<i32>} : memref<16x5x200xf32, #tpu.memory_space<vmem>>, vector<16xf32>,
      }
      %scan3A_49 = arith.constant 16 : i32
      %dma_start3A_50 = arith.constant 0 : i32
      %dma_start3A_51 = arith.constant 0 : i32
      %dma_start3A_52 = tpu.memref_slice %arg4[%add3A_37, %dma_start3A_50, %dma_start3A_51] : memref<16384x5x200xf32, #tpu.memory_space<hbm>> -> memref<16x5x200xf32, #tpu.memory_space<hbm>>
      %dma_start3A_53 = arith.constant 0 : i32
      %dma_start3A_54 = arith.constant 0 : i32
      %dma_start3A_55 = tpu.memref_slice %arg4[%add3A_37, %dma_start3A_53, %dma_start3A_54] : memref<16384x5x200xf32, #tpu.memory_space<hbm>> -> memref<16x5x200xf32, #tpu.memory_space<hbm>>
      tpu.enqueue_dma source(%arg12 : memref<16x5x200xf32, #tpu.memory_space<vmem>>) target(%dma_start3A_55 : memref<16x5x200xf32, #tpu.memory_space<hbm>>) target_semaphore(%arg16 : memref<!tpu.dma_semaphore, #tpu.memory_space<semaphore_mem>>)
      %lt3A = arith.constant 15 : i32
      %lt3A_56 = arith.cmpi slt, %scan3A_30, %lt3A : i32
      %convert_element_type3A_57 = arith.extui %lt3A_56 : i1 to i32
      %cond3A_58 = arith.constant 0 : i32
      %cond3A_59 = arith.cmpi ne, %convert_element_type3A_57, %cond3A_58 : i32
      scf.if %cond3A_59 {
        %add3A_93 = arith.constant 32 : i32
        %add3A_94 = arith.addi %add3A_37, %add3A_93 : i32
        %dma_start3A_95 = arith.constant 0 : i32
        %dma_start3A_96 = tpu.memref_slice %arg2[%add3A_94, %dma_start3A_95] : memref<16384x200xi32, #tpu.memory_space<hbm>> -> memref<16x200xi32, #tpu.memory_space<hbm>>
        %dma_start3A_97 = arith.constant 0 : i32
        %dma_start3A_98 = tpu.memref_slice %arg2[%add3A_94, %dma_start3A_97] : memref<16384x200xi32, #tpu.memory_space<hbm>> -> memref<16x200xi32, #tpu.memory_space<hbm>>
        tpu.enqueue_dma source(%dma_start3A_98 : memref<16x200xi32, #tpu.memory_space<hbm>>) target(%arg10 : memref<16x200xi32, #tpu.memory_space<vmem>>) target_semaphore(%arg14 : memref<!tpu.dma_semaphore, #tpu.memory_space<semaphore_mem>>)
      } else {
      }
      %mul3A_60 = arith.constant 2 : i32
      %mul3A_61 = arith.muli %mul3A_60, %scan3A_30 : i32
      %add3A_62 = arith.constant 1 : i32
      %add3A_63 = arith.addi %mul3A_61, %add3A_62 : i32
      %mul3A_64 = arith.constant 16 : i32
      %mul3A_65 = arith.muli %add3A_63, %mul3A_64 : i32
      %add3A_66 = arith.addi %mul3A_2, %mul3A_65 : i32
      %dma_wait3A_67 = arith.constant 0 : i32
      %dma_wait3A_68 = tpu.memref_slice %arg2[%add3A_66, %dma_wait3A_67] : memref<16384x200xi32, #tpu.memory_space<hbm>> -> memref<16x200xi32, #tpu.memory_space<hbm>>
      %dma_wait3A_69 = arith.constant 0 : i32
      %dma_wait3A_70 = tpu.memref_slice %arg2[%add3A_66, %dma_wait3A_69] : memref<16384x200xi32, #tpu.memory_space<hbm>> -> memref<16x200xi32, #tpu.memory_space<hbm>>
      tpu.wait_dma2 semaphore(%arg15 : memref<!tpu.dma_semaphore, #tpu.memory_space<semaphore_mem>>) src(%dma_wait3A_70 : memref<16x200xi32, #tpu.memory_space<hbm>>) dst(%arg11 : memref<16x200xi32, #tpu.memory_space<vmem>>)
      %gt3A_71 = arith.constant 0 : i32
      %gt3A_72 = arith.cmpi sgt, %scan3A_30, %gt3A_71 : i32
      %convert_element_type3A_73 = arith.extui %gt3A_72 : i1 to i32
      %cond3A_74 = arith.constant 0 : i32
      %cond3A_75 = arith.cmpi ne, %convert_element_type3A_73, %cond3A_74 : i32
      scf.if %cond3A_75 {
        %dma_wait3A_93 = arith.constant 0 : i32
        %dma_wait3A_94 = arith.constant 0 : i32
        %dma_wait3A_95 = tpu.memref_slice %arg4[%mul3A_2, %dma_wait3A_93, %dma_wait3A_94] : memref<16384x5x200xf32, #tpu.memory_space<hbm>> -> memref<16x5x200xf32, #tpu.memory_space<hbm>>
        %dma_wait3A_96 = arith.constant 0 : i32
        %dma_wait3A_97 = arith.constant 0 : i32
        %dma_wait3A_98 = tpu.memref_slice %arg4[%mul3A_2, %dma_wait3A_96, %dma_wait3A_97] : memref<16384x5x200xf32, #tpu.memory_space<hbm>> -> memref<16x5x200xf32, #tpu.memory_space<hbm>>
        tpu.wait_dma2 semaphore(%arg17 : memref<!tpu.dma_semaphore, #tpu.memory_space<semaphore_mem>>) src(%arg13 : memref<16x5x200xf32, #tpu.memory_space<vmem>>) dst(%dma_wait3A_98 : memref<16x5x200xf32, #tpu.memory_space<hbm>>)
      } else {
      }
      %scan3A_76 = arith.constant 0 : i32
      %scan3A_77 = arith.constant 0 : i32
      %scan3A_78 = arith.constant 16 : i32
      %scan3A_79 = arith.addi %scan3A_77, %scan3A_78 : i32
      %scan3A_80 = arith.constant 1 : i32
      scf.for %scan3A_93 = %scan3A_77 to %scan3A_79 step %scan3A_80  : i32 {
        %get3A = arith.index_cast %scan3A_93 : i32 to index
        %get3A_94 = arith.constant 0 : index
        %get3A_95 = tpu.vector_load %arg11[%get3A, %get3A_94] {strides = array<i32>} : memref<16x200xi32, #tpu.memory_space<vmem>>, vector<16xi32>,
        %gather3A = tpu.vector_load_idx %arg5[%get3A_95] : memref<48xf32, #tpu.memory_space<vmem>>[vector<16xi32>], vector<16xf32>,
        %gather3A_96 = tpu.vector_load_idx %arg6[%get3A_95] : memref<48xf32, #tpu.memory_space<vmem>>[vector<16xi32>], vector<16xf32>,
        %gather3A_97 = tpu.vector_load_idx %arg7[%get3A_95] : memref<48xf32, #tpu.memory_space<vmem>>[vector<16xi32>], vector<16xf32>,
        %gather3A_98 = tpu.vector_load_idx %arg8[%get3A_95] : memref<48xf32, #tpu.memory_space<vmem>>[vector<16xi32>], vector<16xf32>,
        %gather3A_99 = tpu.vector_load_idx %arg9[%get3A_95] : memref<48xf32, #tpu.memory_space<vmem>>[vector<16xi32>], vector<16xf32>,
        %get3A_100 = arith.index_cast %scan3A_93 : i32 to index
        %get3A_101 = arith.constant 16 : index
        %get3A_102 = tpu.vector_load %arg11[%get3A_100, %get3A_101] {strides = array<i32>} : memref<16x200xi32, #tpu.memory_space<vmem>>, vector<16xi32>,
        %gather3A_103 = tpu.vector_load_idx %arg5[%get3A_102] : memref<48xf32, #tpu.memory_space<vmem>>[vector<16xi32>], vector<16xf32>,
        %gather3A_104 = tpu.vector_load_idx %arg6[%get3A_102] : memref<48xf32, #tpu.memory_space<vmem>>[vector<16xi32>], vector<16xf32>,
        %gather3A_105 = tpu.vector_load_idx %arg7[%get3A_102] : memref<48xf32, #tpu.memory_space<vmem>>[vector<16xi32>], vector<16xf32>,
        %gather3A_106 = tpu.vector_load_idx %arg8[%get3A_102] : memref<48xf32, #tpu.memory_space<vmem>>[vector<16xi32>], vector<16xf32>,
        %gather3A_107 = tpu.vector_load_idx %arg9[%get3A_102] : memref<48xf32, #tpu.memory_space<vmem>>[vector<16xi32>], vector<16xf32>,
        %swap3A = arith.constant 0 : i32
        %swap3A_108 = arith.index_cast %scan3A_93 : i32 to index
        %swap3A_109 = arith.index_cast %swap3A : i32 to index
        %swap3A_110 = arith.constant 0 : index
        %swap3A_111 = tpu.vector_load %arg13[%swap3A_108, %swap3A_109, %swap3A_110] {strides = array<i32>} : memref<16x5x200xf32, #tpu.memory_space<vmem>>, vector<16xf32>,
        tpu.vector_store %arg13[%swap3A_108, %swap3A_109, %swap3A_110], %gather3A {strides = array<i32>} : memref<16x5x200xf32, #tpu.memory_space<vmem>>, vector<16xf32>,
        %swap3A_112 = arith.constant 1 : i32
        %swap3A_113 = arith.index_cast %scan3A_93 : i32 to index
        %swap3A_114 = arith.index_cast %swap3A_112 : i32 to index
        %swap3A_115 = arith.constant 0 : index
        %swap3A_116 = tpu.vector_load %arg13[%swap3A_113, %swap3A_114, %swap3A_115] {strides = array<i32>} : memref<16x5x200xf32, #tpu.memory_space<vmem>>, vector<16xf32>,
        tpu.vector_store %arg13[%swap3A_113, %swap3A_114, %swap3A_115], %gather3A_96 {strides = array<i32>} : memref<16x5x200xf32, #tpu.memory_space<vmem>>, vector<16xf32>,
        %swap3A_117 = arith.constant 2 : i32
        %swap3A_118 = arith.index_cast %scan3A_93 : i32 to index
        %swap3A_119 = arith.index_cast %swap3A_117 : i32 to index
        %swap3A_120 = arith.constant 0 : index
        %swap3A_121 = tpu.vector_load %arg13[%swap3A_118, %swap3A_119, %swap3A_120] {strides = array<i32>} : memref<16x5x200xf32, #tpu.memory_space<vmem>>, vector<16xf32>,
        tpu.vector_store %arg13[%swap3A_118, %swap3A_119, %swap3A_120], %gather3A_97 {strides = array<i32>} : memref<16x5x200xf32, #tpu.memory_space<vmem>>, vector<16xf32>,
        %swap3A_122 = arith.constant 3 : i32
        %swap3A_123 = arith.index_cast %scan3A_93 : i32 to index
        %swap3A_124 = arith.index_cast %swap3A_122 : i32 to index
        %swap3A_125 = arith.constant 0 : index
        %swap3A_126 = tpu.vector_load %arg13[%swap3A_123, %swap3A_124, %swap3A_125] {strides = array<i32>} : memref<16x5x200xf32, #tpu.memory_space<vmem>>, vector<16xf32>,
        tpu.vector_store %arg13[%swap3A_123, %swap3A_124, %swap3A_125], %gather3A_98 {strides = array<i32>} : memref<16x5x200xf32, #tpu.memory_space<vmem>>, vector<16xf32>,
        %swap3A_127 = arith.constant 4 : i32
        %swap3A_128 = arith.index_cast %scan3A_93 : i32 to index
        %swap3A_129 = arith.index_cast %swap3A_127 : i32 to index
        %swap3A_130 = arith.constant 0 : index
        %swap3A_131 = tpu.vector_load %arg13[%swap3A_128, %swap3A_129, %swap3A_130] {strides = array<i32>} : memref<16x5x200xf32, #tpu.memory_space<vmem>>, vector<16xf32>,
        tpu.vector_store %arg13[%swap3A_128, %swap3A_129, %swap3A_130], %gather3A_99 {strides = array<i32>} : memref<16x5x200xf32, #tpu.memory_space<vmem>>, vector<16xf32>,
        %get3A_132 = arith.index_cast %scan3A_93 : i32 to index
        %get3A_133 = arith.constant 32 : index
        %get3A_134 = tpu.vector_load %arg11[%get3A_132, %get3A_133] {strides = array<i32>} : memref<16x200xi32, #tpu.memory_space<vmem>>, vector<16xi32>,
        %gather3A_135 = tpu.vector_load_idx %arg5[%get3A_134] : memref<48xf32, #tpu.memory_space<vmem>>[vector<16xi32>], vector<16xf32>,
        %gather3A_136 = tpu.vector_load_idx %arg6[%get3A_134] : memref<48xf32, #tpu.memory_space<vmem>>[vector<16xi32>], vector<16xf32>,
        %gather3A_137 = tpu.vector_load_idx %arg7[%get3A_134] : memref<48xf32, #tpu.memory_space<vmem>>[vector<16xi32>], vector<16xf32>,
        %gather3A_138 = tpu.vector_load_idx %arg8[%get3A_134] : memref<48xf32, #tpu.memory_space<vmem>>[vector<16xi32>], vector<16xf32>,
        %gather3A_139 = tpu.vector_load_idx %arg9[%get3A_134] : memref<48xf32, #tpu.memory_space<vmem>>[vector<16xi32>], vector<16xf32>,
        %swap3A_140 = arith.constant 0 : i32
        %swap3A_141 = arith.index_cast %scan3A_93 : i32 to index
        %swap3A_142 = arith.index_cast %swap3A_140 : i32 to index
        %swap3A_143 = arith.constant 16 : index
        %swap3A_144 = tpu.vector_load %arg13[%swap3A_141, %swap3A_142, %swap3A_143] {strides = array<i32>} : memref<16x5x200xf32, #tpu.memory_space<vmem>>, vector<16xf32>,
        tpu.vector_store %arg13[%swap3A_141, %swap3A_142, %swap3A_143], %gather3A_103 {strides = array<i32>} : memref<16x5x200xf32, #tpu.memory_space<vmem>>, vector<16xf32>,
        %swap3A_145 = arith.constant 1 : i32
        %swap3A_146 = arith.index_cast %scan3A_93 : i32 to index
        %swap3A_147 = arith.index_cast %swap3A_145 : i32 to index
        %swap3A_148 = arith.constant 16 : index
        %swap3A_149 = tpu.vector_load %arg13[%swap3A_146, %swap3A_147, %swap3A_148] {strides = array<i32>} : memref<16x5x200xf32, #tpu.memory_space<vmem>>, vector<16xf32>,
        tpu.vector_store %arg13[%swap3A_146, %swap3A_147, %swap3A_148], %gather3A_104 {strides = array<i32>} : memref<16x5x200xf32, #tpu.memory_space<vmem>>, vector<16xf32>,
        %swap3A_150 = arith.constant 2 : i32
        %swap3A_151 = arith.index_cast %scan3A_93 : i32 to index
        %swap3A_152 = arith.index_cast %swap3A_150 : i32 to index
        %swap3A_153 = arith.constant 16 : index
        %swap3A_154 = tpu.vector_load %arg13[%swap3A_151, %swap3A_152, %swap3A_153] {strides = array<i32>} : memref<16x5x200xf32, #tpu.memory_space<vmem>>, vector<16xf32>,
        tpu.vector_store %arg13[%swap3A_151, %swap3A_152, %swap3A_153], %gather3A_105 {strides = array<i32>} : memref<16x5x200xf32, #tpu.memory_space<vmem>>, vector<16xf32>,
        %swap3A_155 = arith.constant 3 : i32
        %swap3A_156 = arith.index_cast %scan3A_93 : i32 to index
        %swap3A_157 = arith.index_cast %swap3A_155 : i32 to index
        %swap3A_158 = arith.constant 16 : index
        %swap3A_159 = tpu.vector_load %arg13[%swap3A_156, %swap3A_157, %swap3A_158] {strides = array<i32>} : memref<16x5x200xf32, #tpu.memory_space<vmem>>, vector<16xf32>,
        tpu.vector_store %arg13[%swap3A_156, %swap3A_157, %swap3A_158], %gather3A_106 {strides = array<i32>} : memref<16x5x200xf32, #tpu.memory_space<vmem>>, vector<16xf32>,
        %swap3A_160 = arith.constant 4 : i32
        %swap3A_161 = arith.index_cast %scan3A_93 : i32 to index
        %swap3A_162 = arith.index_cast %swap3A_160 : i32 to index
        %swap3A_163 = arith.constant 16 : index
        %swap3A_164 = tpu.vector_load %arg13[%swap3A_161, %swap3A_162, %swap3A_163] {strides = array<i32>} : memref<16x5x200xf32, #tpu.memory_space<vmem>>, vector<16xf32>,
        tpu.vector_store %arg13[%swap3A_161, %swap3A_162, %swap3A_163], %gather3A_107 {strides = array<i32>} : memref<16x5x200xf32, #tpu.memory_space<vmem>>, vector<16xf32>,
        %get3A_165 = arith.index_cast %scan3A_93 : i32 to index
        %get3A_166 = arith.constant 48 : index
        %get3A_167 = tpu.vector_load %arg11[%get3A_165, %get3A_166] {strides = array<i32>} : memref<16x200xi32, #tpu.memory_space<vmem>>, vector<16xi32>,
        %gather3A_168 = tpu.vector_load_idx %arg5[%get3A_167] : memref<48xf32, #tpu.memory_space<vmem>>[vector<16xi32>], vector<16xf32>,
        %gather3A_169 = tpu.vector_load_idx %arg6[%get3A_167] : memref<48xf32, #tpu.memory_space<vmem>>[vector<16xi32>], vector<16xf32>,
        %gather3A_170 = tpu.vector_load_idx %arg7[%get3A_167] : memref<48xf32, #tpu.memory_space<vmem>>[vector<16xi32>], vector<16xf32>,
        %gather3A_171 = tpu.vector_load_idx %arg8[%get3A_167] : memref<48xf32, #tpu.memory_space<vmem>>[vector<16xi32>], vector<16xf32>,
        %gather3A_172 = tpu.vector_load_idx %arg9[%get3A_167] : memref<48xf32, #tpu.memory_space<vmem>>[vector<16xi32>], vector<16xf32>,
        %swap3A_173 = arith.constant 0 : i32
        %swap3A_174 = arith.index_cast %scan3A_93 : i32 to index
        %swap3A_175 = arith.index_cast %swap3A_173 : i32 to index
        %swap3A_176 = arith.constant 32 : index
        %swap3A_177 = tpu.vector_load %arg13[%swap3A_174, %swap3A_175, %swap3A_176] {strides = array<i32>} : memref<16x5x200xf32, #tpu.memory_space<vmem>>, vector<16xf32>,
        tpu.vector_store %arg13[%swap3A_174, %swap3A_175, %swap3A_176], %gather3A_135 {strides = array<i32>} : memref<16x5x200xf32, #tpu.memory_space<vmem>>, vector<16xf32>,
        %swap3A_178 = arith.constant 1 : i32
        %swap3A_179 = arith.index_cast %scan3A_93 : i32 to index
        %swap3A_180 = arith.index_cast %swap3A_178 : i32 to index
        %swap3A_181 = arith.constant 32 : index
        %swap3A_182 = tpu.vector_load %arg13[%swap3A_179, %swap3A_180, %swap3A_181] {strides = array<i32>} : memref<16x5x200xf32, #tpu.memory_space<vmem>>, vector<16xf32>,
        tpu.vector_store %arg13[%swap3A_179, %swap3A_180, %swap3A_181], %gather3A_136 {strides = array<i32>} : memref<16x5x200xf32, #tpu.memory_space<vmem>>, vector<16xf32>,
        %swap3A_183 = arith.constant 2 : i32
        %swap3A_184 = arith.index_cast %scan3A_93 : i32 to index
        %swap3A_185 = arith.index_cast %swap3A_183 : i32 to index
        %swap3A_186 = arith.constant 32 : index
        %swap3A_187 = tpu.vector_load %arg13[%swap3A_184, %swap3A_185, %swap3A_186] {strides = array<i32>} : memref<16x5x200xf32, #tpu.memory_space<vmem>>, vector<16xf32>,
        tpu.vector_store %arg13[%swap3A_184, %swap3A_185, %swap3A_186], %gather3A_137 {strides = array<i32>} : memref<16x5x200xf32, #tpu.memory_space<vmem>>, vector<16xf32>,
        %swap3A_188 = arith.constant 3 : i32
        %swap3A_189 = arith.index_cast %scan3A_93 : i32 to index
        %swap3A_190 = arith.index_cast %swap3A_188 : i32 to index
        %swap3A_191 = arith.constant 32 : index
        %swap3A_192 = tpu.vector_load %arg13[%swap3A_189, %swap3A_190, %swap3A_191] {strides = array<i32>} : memref<16x5x200xf32, #tpu.memory_space<vmem>>, vector<16xf32>,
        tpu.vector_store %arg13[%swap3A_189, %swap3A_190, %swap3A_191], %gather3A_138 {strides = array<i32>} : memref<16x5x200xf32, #tpu.memory_space<vmem>>, vector<16xf32>,
        %swap3A_193 = arith.constant 4 : i32
        %swap3A_194 = arith.index_cast %scan3A_93 : i32 to index
        %swap3A_195 = arith.index_cast %swap3A_193 : i32 to index
        %swap3A_196 = arith.constant 32 : index
        %swap3A_197 = tpu.vector_load %arg13[%swap3A_194, %swap3A_195, %swap3A_196] {strides = array<i32>} : memref<16x5x200xf32, #tpu.memory_space<vmem>>, vector<16xf32>,
        tpu.vector_store %arg13[%swap3A_194, %swap3A_195, %swap3A_196], %gather3A_139 {strides = array<i32>} : memref<16x5x200xf32, #tpu.memory_space<vmem>>, vector<16xf32>,
        %get3A_198 = arith.index_cast %scan3A_93 : i32 to index
        %get3A_199 = arith.constant 64 : index
        %get3A_200 = tpu.vector_load %arg11[%get3A_198, %get3A_199] {strides = array<i32>} : memref<16x200xi32, #tpu.memory_space<vmem>>, vector<16xi32>,
        %gather3A_201 = tpu.vector_load_idx %arg5[%get3A_200] : memref<48xf32, #tpu.memory_space<vmem>>[vector<16xi32>], vector<16xf32>,
        %gather3A_202 = tpu.vector_load_idx %arg6[%get3A_200] : memref<48xf32, #tpu.memory_space<vmem>>[vector<16xi32>], vector<16xf32>,
        %gather3A_203 = tpu.vector_load_idx %arg7[%get3A_200] : memref<48xf32, #tpu.memory_space<vmem>>[vector<16xi32>], vector<16xf32>,
        %gather3A_204 = tpu.vector_load_idx %arg8[%get3A_200] : memref<48xf32, #tpu.memory_space<vmem>>[vector<16xi32>], vector<16xf32>,
        %gather3A_205 = tpu.vector_load_idx %arg9[%get3A_200] : memref<48xf32, #tpu.memory_space<vmem>>[vector<16xi32>], vector<16xf32>,
        %swap3A_206 = arith.constant 0 : i32
        %swap3A_207 = arith.index_cast %scan3A_93 : i32 to index
        %swap3A_208 = arith.index_cast %swap3A_206 : i32 to index
        %swap3A_209 = arith.constant 48 : index
        %swap3A_210 = tpu.vector_load %arg13[%swap3A_207, %swap3A_208, %swap3A_209] {strides = array<i32>} : memref<16x5x200xf32, #tpu.memory_space<vmem>>, vector<16xf32>,
        tpu.vector_store %arg13[%swap3A_207, %swap3A_208, %swap3A_209], %gather3A_168 {strides = array<i32>} : memref<16x5x200xf32, #tpu.memory_space<vmem>>, vector<16xf32>,
        %swap3A_211 = arith.constant 1 : i32
        %swap3A_212 = arith.index_cast %scan3A_93 : i32 to index
        %swap3A_213 = arith.index_cast %swap3A_211 : i32 to index
        %swap3A_214 = arith.constant 48 : index
        %swap3A_215 = tpu.vector_load %arg13[%swap3A_212, %swap3A_213, %swap3A_214] {strides = array<i32>} : memref<16x5x200xf32, #tpu.memory_space<vmem>>, vector<16xf32>,
        tpu.vector_store %arg13[%swap3A_212, %swap3A_213, %swap3A_214], %gather3A_169 {strides = array<i32>} : memref<16x5x200xf32, #tpu.memory_space<vmem>>, vector<16xf32>,
        %swap3A_216 = arith.constant 2 : i32
        %swap3A_217 = arith.index_cast %scan3A_93 : i32 to index
        %swap3A_218 = arith.index_cast %swap3A_216 : i32 to index
        %swap3A_219 = arith.constant 48 : index
        %swap3A_220 = tpu.vector_load %arg13[%swap3A_217, %swap3A_218, %swap3A_219] {strides = array<i32>} : memref<16x5x200xf32, #tpu.memory_space<vmem>>, vector<16xf32>,
        tpu.vector_store %arg13[%swap3A_217, %swap3A_218, %swap3A_219], %gather3A_170 {strides = array<i32>} : memref<16x5x200xf32, #tpu.memory_space<vmem>>, vector<16xf32>,
        %swap3A_221 = arith.constant 3 : i32
        %swap3A_222 = arith.index_cast %scan3A_93 : i32 to index
        %swap3A_223 = arith.index_cast %swap3A_221 : i32 to index
        %swap3A_224 = arith.constant 48 : index
        %swap3A_225 = tpu.vector_load %arg13[%swap3A_222, %swap3A_223, %swap3A_224] {strides = array<i32>} : memref<16x5x200xf32, #tpu.memory_space<vmem>>, vector<16xf32>,
        tpu.vector_store %arg13[%swap3A_222, %swap3A_223, %swap3A_224], %gather3A_171 {strides = array<i32>} : memref<16x5x200xf32, #tpu.memory_space<vmem>>, vector<16xf32>,
        %swap3A_226 = arith.constant 4 : i32
        %swap3A_227 = arith.index_cast %scan3A_93 : i32 to index
        %swap3A_228 = arith.index_cast %swap3A_226 : i32 to index
        %swap3A_229 = arith.constant 48 : index
        %swap3A_230 = tpu.vector_load %arg13[%swap3A_227, %swap3A_228, %swap3A_229] {strides = array<i32>} : memref<16x5x200xf32, #tpu.memory_space<vmem>>, vector<16xf32>,
        tpu.vector_store %arg13[%swap3A_227, %swap3A_228, %swap3A_229], %gather3A_172 {strides = array<i32>} : memref<16x5x200xf32, #tpu.memory_space<vmem>>, vector<16xf32>,
        %get3A_231 = arith.index_cast %scan3A_93 : i32 to index
        %get3A_232 = arith.constant 80 : index
        %get3A_233 = tpu.vector_load %arg11[%get3A_231, %get3A_232] {strides = array<i32>} : memref<16x200xi32, #tpu.memory_space<vmem>>, vector<16xi32>,
        %gather3A_234 = tpu.vector_load_idx %arg5[%get3A_233] : memref<48xf32, #tpu.memory_space<vmem>>[vector<16xi32>], vector<16xf32>,
        %gather3A_235 = tpu.vector_load_idx %arg6[%get3A_233] : memref<48xf32, #tpu.memory_space<vmem>>[vector<16xi32>], vector<16xf32>,
        %gather3A_236 = tpu.vector_load_idx %arg7[%get3A_233] : memref<48xf32, #tpu.memory_space<vmem>>[vector<16xi32>], vector<16xf32>,
        %gather3A_237 = tpu.vector_load_idx %arg8[%get3A_233] : memref<48xf32, #tpu.memory_space<vmem>>[vector<16xi32>], vector<16xf32>,
        %gather3A_238 = tpu.vector_load_idx %arg9[%get3A_233] : memref<48xf32, #tpu.memory_space<vmem>>[vector<16xi32>], vector<16xf32>,
        %swap3A_239 = arith.constant 0 : i32
        %swap3A_240 = arith.index_cast %scan3A_93 : i32 to index
        %swap3A_241 = arith.index_cast %swap3A_239 : i32 to index
        %swap3A_242 = arith.constant 64 : index
        %swap3A_243 = tpu.vector_load %arg13[%swap3A_240, %swap3A_241, %swap3A_242] {strides = array<i32>} : memref<16x5x200xf32, #tpu.memory_space<vmem>>, vector<16xf32>,
        tpu.vector_store %arg13[%swap3A_240, %swap3A_241, %swap3A_242], %gather3A_201 {strides = array<i32>} : memref<16x5x200xf32, #tpu.memory_space<vmem>>, vector<16xf32>,
        %swap3A_244 = arith.constant 1 : i32
        %swap3A_245 = arith.index_cast %scan3A_93 : i32 to index
        %swap3A_246 = arith.index_cast %swap3A_244 : i32 to index
        %swap3A_247 = arith.constant 64 : index
        %swap3A_248 = tpu.vector_load %arg13[%swap3A_245, %swap3A_246, %swap3A_247] {strides = array<i32>} : memref<16x5x200xf32, #tpu.memory_space<vmem>>, vector<16xf32>,
        tpu.vector_store %arg13[%swap3A_245, %swap3A_246, %swap3A_247], %gather3A_202 {strides = array<i32>} : memref<16x5x200xf32, #tpu.memory_space<vmem>>, vector<16xf32>,
        %swap3A_249 = arith.constant 2 : i32
        %swap3A_250 = arith.index_cast %scan3A_93 : i32 to index
        %swap3A_251 = arith.index_cast %swap3A_249 : i32 to index
        %swap3A_252 = arith.constant 64 : index
        %swap3A_253 = tpu.vector_load %arg13[%swap3A_250, %swap3A_251, %swap3A_252] {strides = array<i32>} : memref<16x5x200xf32, #tpu.memory_space<vmem>>, vector<16xf32>,
        tpu.vector_store %arg13[%swap3A_250, %swap3A_251, %swap3A_252], %gather3A_203 {strides = array<i32>} : memref<16x5x200xf32, #tpu.memory_space<vmem>>, vector<16xf32>,
        %swap3A_254 = arith.constant 3 : i32
        %swap3A_255 = arith.index_cast %scan3A_93 : i32 to index
        %swap3A_256 = arith.index_cast %swap3A_254 : i32 to index
        %swap3A_257 = arith.constant 64 : index
        %swap3A_258 = tpu.vector_load %arg13[%swap3A_255, %swap3A_256, %swap3A_257] {strides = array<i32>} : memref<16x5x200xf32, #tpu.memory_space<vmem>>, vector<16xf32>,
        tpu.vector_store %arg13[%swap3A_255, %swap3A_256, %swap3A_257], %gather3A_204 {strides = array<i32>} : memref<16x5x200xf32, #tpu.memory_space<vmem>>, vector<16xf32>,
        %swap3A_259 = arith.constant 4 : i32
        %swap3A_260 = arith.index_cast %scan3A_93 : i32 to index
        %swap3A_261 = arith.index_cast %swap3A_259 : i32 to index
        %swap3A_262 = arith.constant 64 : index
        %swap3A_263 = tpu.vector_load %arg13[%swap3A_260, %swap3A_261, %swap3A_262] {strides = array<i32>} : memref<16x5x200xf32, #tpu.memory_space<vmem>>, vector<16xf32>,
        tpu.vector_store %arg13[%swap3A_260, %swap3A_261, %swap3A_262], %gather3A_205 {strides = array<i32>} : memref<16x5x200xf32, #tpu.memory_space<vmem>>, vector<16xf32>,
        %get3A_264 = arith.index_cast %scan3A_93 : i32 to index
        %get3A_265 = arith.constant 96 : index
        %get3A_266 = tpu.vector_load %arg11[%get3A_264, %get3A_265] {strides = array<i32>} : memref<16x200xi32, #tpu.memory_space<vmem>>, vector<16xi32>,
        %gather3A_267 = tpu.vector_load_idx %arg5[%get3A_266] : memref<48xf32, #tpu.memory_space<vmem>>[vector<16xi32>], vector<16xf32>,
        %gather3A_268 = tpu.vector_load_idx %arg6[%get3A_266] : memref<48xf32, #tpu.memory_space<vmem>>[vector<16xi32>], vector<16xf32>,
        %gather3A_269 = tpu.vector_load_idx %arg7[%get3A_266] : memref<48xf32, #tpu.memory_space<vmem>>[vector<16xi32>], vector<16xf32>,
        %gather3A_270 = tpu.vector_load_idx %arg8[%get3A_266] : memref<48xf32, #tpu.memory_space<vmem>>[vector<16xi32>], vector<16xf32>,
        %gather3A_271 = tpu.vector_load_idx %arg9[%get3A_266] : memref<48xf32, #tpu.memory_space<vmem>>[vector<16xi32>], vector<16xf32>,
        %swap3A_272 = arith.constant 0 : i32
        %swap3A_273 = arith.index_cast %scan3A_93 : i32 to index
        %swap3A_274 = arith.index_cast %swap3A_272 : i32 to index
        %swap3A_275 = arith.constant 80 : index
        %swap3A_276 = tpu.vector_load %arg13[%swap3A_273, %swap3A_274, %swap3A_275] {strides = array<i32>} : memref<16x5x200xf32, #tpu.memory_space<vmem>>, vector<16xf32>,
        tpu.vector_store %arg13[%swap3A_273, %swap3A_274, %swap3A_275], %gather3A_234 {strides = array<i32>} : memref<16x5x200xf32, #tpu.memory_space<vmem>>, vector<16xf32>,
        %swap3A_277 = arith.constant 1 : i32
        %swap3A_278 = arith.index_cast %scan3A_93 : i32 to index
        %swap3A_279 = arith.index_cast %swap3A_277 : i32 to index
        %swap3A_280 = arith.constant 80 : index
        %swap3A_281 = tpu.vector_load %arg13[%swap3A_278, %swap3A_279, %swap3A_280] {strides = array<i32>} : memref<16x5x200xf32, #tpu.memory_space<vmem>>, vector<16xf32>,
        tpu.vector_store %arg13[%swap3A_278, %swap3A_279, %swap3A_280], %gather3A_235 {strides = array<i32>} : memref<16x5x200xf32, #tpu.memory_space<vmem>>, vector<16xf32>,
        %swap3A_282 = arith.constant 2 : i32
        %swap3A_283 = arith.index_cast %scan3A_93 : i32 to index
        %swap3A_284 = arith.index_cast %swap3A_282 : i32 to index
        %swap3A_285 = arith.constant 80 : index
        %swap3A_286 = tpu.vector_load %arg13[%swap3A_283, %swap3A_284, %swap3A_285] {strides = array<i32>} : memref<16x5x200xf32, #tpu.memory_space<vmem>>, vector<16xf32>,
        tpu.vector_store %arg13[%swap3A_283, %swap3A_284, %swap3A_285], %gather3A_236 {strides = array<i32>} : memref<16x5x200xf32, #tpu.memory_space<vmem>>, vector<16xf32>,
        %swap3A_287 = arith.constant 3 : i32
        %swap3A_288 = arith.index_cast %scan3A_93 : i32 to index
        %swap3A_289 = arith.index_cast %swap3A_287 : i32 to index
        %swap3A_290 = arith.constant 80 : index
        %swap3A_291 = tpu.vector_load %arg13[%swap3A_288, %swap3A_289, %swap3A_290] {strides = array<i32>} : memref<16x5x200xf32, #tpu.memory_space<vmem>>, vector<16xf32>,
        tpu.vector_store %arg13[%swap3A_288, %swap3A_289, %swap3A_290], %gather3A_237 {strides = array<i32>} : memref<16x5x200xf32, #tpu.memory_space<vmem>>, vector<16xf32>,
        %swap3A_292 = arith.constant 4 : i32
        %swap3A_293 = arith.index_cast %scan3A_93 : i32 to index
        %swap3A_294 = arith.index_cast %swap3A_292 : i32 to index
        %swap3A_295 = arith.constant 80 : index
        %swap3A_296 = tpu.vector_load %arg13[%swap3A_293, %swap3A_294, %swap3A_295] {strides = array<i32>} : memref<16x5x200xf32, #tpu.memory_space<vmem>>, vector<16xf32>,
        tpu.vector_store %arg13[%swap3A_293, %swap3A_294, %swap3A_295], %gather3A_238 {strides = array<i32>} : memref<16x5x200xf32, #tpu.memory_space<vmem>>, vector<16xf32>,
        %get3A_297 = arith.index_cast %scan3A_93 : i32 to index
        %get3A_298 = arith.constant 112 : index
        %get3A_299 = tpu.vector_load %arg11[%get3A_297, %get3A_298] {strides = array<i32>} : memref<16x200xi32, #tpu.memory_space<vmem>>, vector<16xi32>,
        %gather3A_300 = tpu.vector_load_idx %arg5[%get3A_299] : memref<48xf32, #tpu.memory_space<vmem>>[vector<16xi32>], vector<16xf32>,
        %gather3A_301 = tpu.vector_load_idx %arg6[%get3A_299] : memref<48xf32, #tpu.memory_space<vmem>>[vector<16xi32>], vector<16xf32>,
        %gather3A_302 = tpu.vector_load_idx %arg7[%get3A_299] : memref<48xf32, #tpu.memory_space<vmem>>[vector<16xi32>], vector<16xf32>,
        %gather3A_303 = tpu.vector_load_idx %arg8[%get3A_299] : memref<48xf32, #tpu.memory_space<vmem>>[vector<16xi32>], vector<16xf32>,
        %gather3A_304 = tpu.vector_load_idx %arg9[%get3A_299] : memref<48xf32, #tpu.memory_space<vmem>>[vector<16xi32>], vector<16xf32>,
        %swap3A_305 = arith.constant 0 : i32
        %swap3A_306 = arith.index_cast %scan3A_93 : i32 to index
        %swap3A_307 = arith.index_cast %swap3A_305 : i32 to index
        %swap3A_308 = arith.constant 96 : index
        %swap3A_309 = tpu.vector_load %arg13[%swap3A_306, %swap3A_307, %swap3A_308] {strides = array<i32>} : memref<16x5x200xf32, #tpu.memory_space<vmem>>, vector<16xf32>,
        tpu.vector_store %arg13[%swap3A_306, %swap3A_307, %swap3A_308], %gather3A_267 {strides = array<i32>} : memref<16x5x200xf32, #tpu.memory_space<vmem>>, vector<16xf32>,
        %swap3A_310 = arith.constant 1 : i32
        %swap3A_311 = arith.index_cast %scan3A_93 : i32 to index
        %swap3A_312 = arith.index_cast %swap3A_310 : i32 to index
        %swap3A_313 = arith.constant 96 : index
        %swap3A_314 = tpu.vector_load %arg13[%swap3A_311, %swap3A_312, %swap3A_313] {strides = array<i32>} : memref<16x5x200xf32, #tpu.memory_space<vmem>>, vector<16xf32>,
        tpu.vector_store %arg13[%swap3A_311, %swap3A_312, %swap3A_313], %gather3A_268 {strides = array<i32>} : memref<16x5x200xf32, #tpu.memory_space<vmem>>, vector<16xf32>,
        %swap3A_315 = arith.constant 2 : i32
        %swap3A_316 = arith.index_cast %scan3A_93 : i32 to index
        %swap3A_317 = arith.index_cast %swap3A_315 : i32 to index
        %swap3A_318 = arith.constant 96 : index
        %swap3A_319 = tpu.vector_load %arg13[%swap3A_316, %swap3A_317, %swap3A_318] {strides = array<i32>} : memref<16x5x200xf32, #tpu.memory_space<vmem>>, vector<16xf32>,
        tpu.vector_store %arg13[%swap3A_316, %swap3A_317, %swap3A_318], %gather3A_269 {strides = array<i32>} : memref<16x5x200xf32, #tpu.memory_space<vmem>>, vector<16xf32>,
        %swap3A_320 = arith.constant 3 : i32
        %swap3A_321 = arith.index_cast %scan3A_93 : i32 to index
        %swap3A_322 = arith.index_cast %swap3A_320 : i32 to index
        %swap3A_323 = arith.constant 96 : index
        %swap3A_324 = tpu.vector_load %arg13[%swap3A_321, %swap3A_322, %swap3A_323] {strides = array<i32>} : memref<16x5x200xf32, #tpu.memory_space<vmem>>, vector<16xf32>,
        tpu.vector_store %arg13[%swap3A_321, %swap3A_322, %swap3A_323], %gather3A_270 {strides = array<i32>} : memref<16x5x200xf32, #tpu.memory_space<vmem>>, vector<16xf32>,
        %swap3A_325 = arith.constant 4 : i32
        %swap3A_326 = arith.index_cast %scan3A_93 : i32 to index
        %swap3A_327 = arith.index_cast %swap3A_325 : i32 to index
        %swap3A_328 = arith.constant 96 : index
        %swap3A_329 = tpu.vector_load %arg13[%swap3A_326, %swap3A_327, %swap3A_328] {strides = array<i32>} : memref<16x5x200xf32, #tpu.memory_space<vmem>>, vector<16xf32>,
        tpu.vector_store %arg13[%swap3A_326, %swap3A_327, %swap3A_328], %gather3A_271 {strides = array<i32>} : memref<16x5x200xf32, #tpu.memory_space<vmem>>, vector<16xf32>,
        %get3A_330 = arith.index_cast %scan3A_93 : i32 to index
        %get3A_331 = arith.constant 128 : index
        %get3A_332 = tpu.vector_load %arg11[%get3A_330, %get3A_331] {strides = array<i32>} : memref<16x200xi32, #tpu.memory_space<vmem>>, vector<16xi32>,
        %gather3A_333 = tpu.vector_load_idx %arg5[%get3A_332] : memref<48xf32, #tpu.memory_space<vmem>>[vector<16xi32>], vector<16xf32>,
        %gather3A_334 = tpu.vector_load_idx %arg6[%get3A_332] : memref<48xf32, #tpu.memory_space<vmem>>[vector<16xi32>], vector<16xf32>,
        %gather3A_335 = tpu.vector_load_idx %arg7[%get3A_332] : memref<48xf32, #tpu.memory_space<vmem>>[vector<16xi32>], vector<16xf32>,
        %gather3A_336 = tpu.vector_load_idx %arg8[%get3A_332] : memref<48xf32, #tpu.memory_space<vmem>>[vector<16xi32>], vector<16xf32>,
        %gather3A_337 = tpu.vector_load_idx %arg9[%get3A_332] : memref<48xf32, #tpu.memory_space<vmem>>[vector<16xi32>], vector<16xf32>,
        %swap3A_338 = arith.constant 0 : i32
        %swap3A_339 = arith.index_cast %scan3A_93 : i32 to index
        %swap3A_340 = arith.index_cast %swap3A_338 : i32 to index
        %swap3A_341 = arith.constant 112 : index
        %swap3A_342 = tpu.vector_load %arg13[%swap3A_339, %swap3A_340, %swap3A_341] {strides = array<i32>} : memref<16x5x200xf32, #tpu.memory_space<vmem>>, vector<16xf32>,
        tpu.vector_store %arg13[%swap3A_339, %swap3A_340, %swap3A_341], %gather3A_300 {strides = array<i32>} : memref<16x5x200xf32, #tpu.memory_space<vmem>>, vector<16xf32>,
        %swap3A_343 = arith.constant 1 : i32
        %swap3A_344 = arith.index_cast %scan3A_93 : i32 to index
        %swap3A_345 = arith.index_cast %swap3A_343 : i32 to index
        %swap3A_346 = arith.constant 112 : index
        %swap3A_347 = tpu.vector_load %arg13[%swap3A_344, %swap3A_345, %swap3A_346] {strides = array<i32>} : memref<16x5x200xf32, #tpu.memory_space<vmem>>, vector<16xf32>,
        tpu.vector_store %arg13[%swap3A_344, %swap3A_345, %swap3A_346], %gather3A_301 {strides = array<i32>} : memref<16x5x200xf32, #tpu.memory_space<vmem>>, vector<16xf32>,
        %swap3A_348 = arith.constant 2 : i32
        %swap3A_349 = arith.index_cast %scan3A_93 : i32 to index
        %swap3A_350 = arith.index_cast %swap3A_348 : i32 to index
        %swap3A_351 = arith.constant 112 : index
        %swap3A_352 = tpu.vector_load %arg13[%swap3A_349, %swap3A_350, %swap3A_351] {strides = array<i32>} : memref<16x5x200xf32, #tpu.memory_space<vmem>>, vector<16xf32>,
        tpu.vector_store %arg13[%swap3A_349, %swap3A_350, %swap3A_351], %gather3A_302 {strides = array<i32>} : memref<16x5x200xf32, #tpu.memory_space<vmem>>, vector<16xf32>,
        %swap3A_353 = arith.constant 3 : i32
        %swap3A_354 = arith.index_cast %scan3A_93 : i32 to index
        %swap3A_355 = arith.index_cast %swap3A_353 : i32 to index
        %swap3A_356 = arith.constant 112 : index
        %swap3A_357 = tpu.vector_load %arg13[%swap3A_354, %swap3A_355, %swap3A_356] {strides = array<i32>} : memref<16x5x200xf32, #tpu.memory_space<vmem>>, vector<16xf32>,
        tpu.vector_store %arg13[%swap3A_354, %swap3A_355, %swap3A_356], %gather3A_303 {strides = array<i32>} : memref<16x5x200xf32, #tpu.memory_space<vmem>>, vector<16xf32>,
        %swap3A_358 = arith.constant 4 : i32
        %swap3A_359 = arith.index_cast %scan3A_93 : i32 to index
        %swap3A_360 = arith.index_cast %swap3A_358 : i32 to index
        %swap3A_361 = arith.constant 112 : index
        %swap3A_362 = tpu.vector_load %arg13[%swap3A_359, %swap3A_360, %swap3A_361] {strides = array<i32>} : memref<16x5x200xf32, #tpu.memory_space<vmem>>, vector<16xf32>,
        tpu.vector_store %arg13[%swap3A_359, %swap3A_360, %swap3A_361], %gather3A_304 {strides = array<i32>} : memref<16x5x200xf32, #tpu.memory_space<vmem>>, vector<16xf32>,
        %get3A_363 = arith.index_cast %scan3A_93 : i32 to index
        %get3A_364 = arith.constant 144 : index
        %get3A_365 = tpu.vector_load %arg11[%get3A_363, %get3A_364] {strides = array<i32>} : memref<16x200xi32, #tpu.memory_space<vmem>>, vector<16xi32>,
        %gather3A_366 = tpu.vector_load_idx %arg5[%get3A_365] : memref<48xf32, #tpu.memory_space<vmem>>[vector<16xi32>], vector<16xf32>,
        %gather3A_367 = tpu.vector_load_idx %arg6[%get3A_365] : memref<48xf32, #tpu.memory_space<vmem>>[vector<16xi32>], vector<16xf32>,
        %gather3A_368 = tpu.vector_load_idx %arg7[%get3A_365] : memref<48xf32, #tpu.memory_space<vmem>>[vector<16xi32>], vector<16xf32>,
        %gather3A_369 = tpu.vector_load_idx %arg8[%get3A_365] : memref<48xf32, #tpu.memory_space<vmem>>[vector<16xi32>], vector<16xf32>,
        %gather3A_370 = tpu.vector_load_idx %arg9[%get3A_365] : memref<48xf32, #tpu.memory_space<vmem>>[vector<16xi32>], vector<16xf32>,
        %swap3A_371 = arith.constant 0 : i32
        %swap3A_372 = arith.index_cast %scan3A_93 : i32 to index
        %swap3A_373 = arith.index_cast %swap3A_371 : i32 to index
        %swap3A_374 = arith.constant 128 : index
        %swap3A_375 = tpu.vector_load %arg13[%swap3A_372, %swap3A_373, %swap3A_374] {strides = array<i32>} : memref<16x5x200xf32, #tpu.memory_space<vmem>>, vector<16xf32>,
        tpu.vector_store %arg13[%swap3A_372, %swap3A_373, %swap3A_374], %gather3A_333 {strides = array<i32>} : memref<16x5x200xf32, #tpu.memory_space<vmem>>, vector<16xf32>,
        %swap3A_376 = arith.constant 1 : i32
        %swap3A_377 = arith.index_cast %scan3A_93 : i32 to index
        %swap3A_378 = arith.index_cast %swap3A_376 : i32 to index
        %swap3A_379 = arith.constant 128 : index
        %swap3A_380 = tpu.vector_load %arg13[%swap3A_377, %swap3A_378, %swap3A_379] {strides = array<i32>} : memref<16x5x200xf32, #tpu.memory_space<vmem>>, vector<16xf32>,
        tpu.vector_store %arg13[%swap3A_377, %swap3A_378, %swap3A_379], %gather3A_334 {strides = array<i32>} : memref<16x5x200xf32, #tpu.memory_space<vmem>>, vector<16xf32>,
        %swap3A_381 = arith.constant 2 : i32
        %swap3A_382 = arith.index_cast %scan3A_93 : i32 to index
        %swap3A_383 = arith.index_cast %swap3A_381 : i32 to index
        %swap3A_384 = arith.constant 128 : index
        %swap3A_385 = tpu.vector_load %arg13[%swap3A_382, %swap3A_383, %swap3A_384] {strides = array<i32>} : memref<16x5x200xf32, #tpu.memory_space<vmem>>, vector<16xf32>,
        tpu.vector_store %arg13[%swap3A_382, %swap3A_383, %swap3A_384], %gather3A_335 {strides = array<i32>} : memref<16x5x200xf32, #tpu.memory_space<vmem>>, vector<16xf32>,
        %swap3A_386 = arith.constant 3 : i32
        %swap3A_387 = arith.index_cast %scan3A_93 : i32 to index
        %swap3A_388 = arith.index_cast %swap3A_386 : i32 to index
        %swap3A_389 = arith.constant 128 : index
        %swap3A_390 = tpu.vector_load %arg13[%swap3A_387, %swap3A_388, %swap3A_389] {strides = array<i32>} : memref<16x5x200xf32, #tpu.memory_space<vmem>>, vector<16xf32>,
        tpu.vector_store %arg13[%swap3A_387, %swap3A_388, %swap3A_389], %gather3A_336 {strides = array<i32>} : memref<16x5x200xf32, #tpu.memory_space<vmem>>, vector<16xf32>,
        %swap3A_391 = arith.constant 4 : i32
        %swap3A_392 = arith.index_cast %scan3A_93 : i32 to index
        %swap3A_393 = arith.index_cast %swap3A_391 : i32 to index
        %swap3A_394 = arith.constant 128 : index
        %swap3A_395 = tpu.vector_load %arg13[%swap3A_392, %swap3A_393, %swap3A_394] {strides = array<i32>} : memref<16x5x200xf32, #tpu.memory_space<vmem>>, vector<16xf32>,
        tpu.vector_store %arg13[%swap3A_392, %swap3A_393, %swap3A_394], %gather3A_337 {strides = array<i32>} : memref<16x5x200xf32, #tpu.memory_space<vmem>>, vector<16xf32>,
        %get3A_396 = arith.index_cast %scan3A_93 : i32 to index
        %get3A_397 = arith.constant 160 : index
        %get3A_398 = tpu.vector_load %arg11[%get3A_396, %get3A_397] {strides = array<i32>} : memref<16x200xi32, #tpu.memory_space<vmem>>, vector<16xi32>,
        %gather3A_399 = tpu.vector_load_idx %arg5[%get3A_398] : memref<48xf32, #tpu.memory_space<vmem>>[vector<16xi32>], vector<16xf32>,
        %gather3A_400 = tpu.vector_load_idx %arg6[%get3A_398] : memref<48xf32, #tpu.memory_space<vmem>>[vector<16xi32>], vector<16xf32>,
        %gather3A_401 = tpu.vector_load_idx %arg7[%get3A_398] : memref<48xf32, #tpu.memory_space<vmem>>[vector<16xi32>], vector<16xf32>,
        %gather3A_402 = tpu.vector_load_idx %arg8[%get3A_398] : memref<48xf32, #tpu.memory_space<vmem>>[vector<16xi32>], vector<16xf32>,
        %gather3A_403 = tpu.vector_load_idx %arg9[%get3A_398] : memref<48xf32, #tpu.memory_space<vmem>>[vector<16xi32>], vector<16xf32>,
        %swap3A_404 = arith.constant 0 : i32
        %swap3A_405 = arith.index_cast %scan3A_93 : i32 to index
        %swap3A_406 = arith.index_cast %swap3A_404 : i32 to index
        %swap3A_407 = arith.constant 144 : index
        %swap3A_408 = tpu.vector_load %arg13[%swap3A_405, %swap3A_406, %swap3A_407] {strides = array<i32>} : memref<16x5x200xf32, #tpu.memory_space<vmem>>, vector<16xf32>,
        tpu.vector_store %arg13[%swap3A_405, %swap3A_406, %swap3A_407], %gather3A_366 {strides = array<i32>} : memref<16x5x200xf32, #tpu.memory_space<vmem>>, vector<16xf32>,
        %swap3A_409 = arith.constant 1 : i32
        %swap3A_410 = arith.index_cast %scan3A_93 : i32 to index
        %swap3A_411 = arith.index_cast %swap3A_409 : i32 to index
        %swap3A_412 = arith.constant 144 : index
        %swap3A_413 = tpu.vector_load %arg13[%swap3A_410, %swap3A_411, %swap3A_412] {strides = array<i32>} : memref<16x5x200xf32, #tpu.memory_space<vmem>>, vector<16xf32>,
        tpu.vector_store %arg13[%swap3A_410, %swap3A_411, %swap3A_412], %gather3A_367 {strides = array<i32>} : memref<16x5x200xf32, #tpu.memory_space<vmem>>, vector<16xf32>,
        %swap3A_414 = arith.constant 2 : i32
        %swap3A_415 = arith.index_cast %scan3A_93 : i32 to index
        %swap3A_416 = arith.index_cast %swap3A_414 : i32 to index
        %swap3A_417 = arith.constant 144 : index
        %swap3A_418 = tpu.vector_load %arg13[%swap3A_415, %swap3A_416, %swap3A_417] {strides = array<i32>} : memref<16x5x200xf32, #tpu.memory_space<vmem>>, vector<16xf32>,
        tpu.vector_store %arg13[%swap3A_415, %swap3A_416, %swap3A_417], %gather3A_368 {strides = array<i32>} : memref<16x5x200xf32, #tpu.memory_space<vmem>>, vector<16xf32>,
        %swap3A_419 = arith.constant 3 : i32
        %swap3A_420 = arith.index_cast %scan3A_93 : i32 to index
        %swap3A_421 = arith.index_cast %swap3A_419 : i32 to index
        %swap3A_422 = arith.constant 144 : index
        %swap3A_423 = tpu.vector_load %arg13[%swap3A_420, %swap3A_421, %swap3A_422] {strides = array<i32>} : memref<16x5x200xf32, #tpu.memory_space<vmem>>, vector<16xf32>,
        tpu.vector_store %arg13[%swap3A_420, %swap3A_421, %swap3A_422], %gather3A_369 {strides = array<i32>} : memref<16x5x200xf32, #tpu.memory_space<vmem>>, vector<16xf32>,
        %swap3A_424 = arith.constant 4 : i32
        %swap3A_425 = arith.index_cast %scan3A_93 : i32 to index
        %swap3A_426 = arith.index_cast %swap3A_424 : i32 to index
        %swap3A_427 = arith.constant 144 : index
        %swap3A_428 = tpu.vector_load %arg13[%swap3A_425, %swap3A_426, %swap3A_427] {strides = array<i32>} : memref<16x5x200xf32, #tpu.memory_space<vmem>>, vector<16xf32>,
        tpu.vector_store %arg13[%swap3A_425, %swap3A_426, %swap3A_427], %gather3A_370 {strides = array<i32>} : memref<16x5x200xf32, #tpu.memory_space<vmem>>, vector<16xf32>,
        %get3A_429 = arith.index_cast %scan3A_93 : i32 to index
        %get3A_430 = arith.constant 176 : index
        %get3A_431 = tpu.vector_load %arg11[%get3A_429, %get3A_430] {strides = array<i32>} : memref<16x200xi32, #tpu.memory_space<vmem>>, vector<16xi32>,
        %gather3A_432 = tpu.vector_load_idx %arg5[%get3A_431] : memref<48xf32, #tpu.memory_space<vmem>>[vector<16xi32>], vector<16xf32>,
        %gather3A_433 = tpu.vector_load_idx %arg6[%get3A_431] : memref<48xf32, #tpu.memory_space<vmem>>[vector<16xi32>], vector<16xf32>,
        %gather3A_434 = tpu.vector_load_idx %arg7[%get3A_431] : memref<48xf32, #tpu.memory_space<vmem>>[vector<16xi32>], vector<16xf32>,
        %gather3A_435 = tpu.vector_load_idx %arg8[%get3A_431] : memref<48xf32, #tpu.memory_space<vmem>>[vector<16xi32>], vector<16xf32>,
        %gather3A_436 = tpu.vector_load_idx %arg9[%get3A_431] : memref<48xf32, #tpu.memory_space<vmem>>[vector<16xi32>], vector<16xf32>,
        %swap3A_437 = arith.constant 0 : i32
        %swap3A_438 = arith.index_cast %scan3A_93 : i32 to index
        %swap3A_439 = arith.index_cast %swap3A_437 : i32 to index
        %swap3A_440 = arith.constant 160 : index
        %swap3A_441 = tpu.vector_load %arg13[%swap3A_438, %swap3A_439, %swap3A_440] {strides = array<i32>} : memref<16x5x200xf32, #tpu.memory_space<vmem>>, vector<16xf32>,
        tpu.vector_store %arg13[%swap3A_438, %swap3A_439, %swap3A_440], %gather3A_399 {strides = array<i32>} : memref<16x5x200xf32, #tpu.memory_space<vmem>>, vector<16xf32>,
        %swap3A_442 = arith.constant 1 : i32
        %swap3A_443 = arith.index_cast %scan3A_93 : i32 to index
        %swap3A_444 = arith.index_cast %swap3A_442 : i32 to index
        %swap3A_445 = arith.constant 160 : index
        %swap3A_446 = tpu.vector_load %arg13[%swap3A_443, %swap3A_444, %swap3A_445] {strides = array<i32>} : memref<16x5x200xf32, #tpu.memory_space<vmem>>, vector<16xf32>,
        tpu.vector_store %arg13[%swap3A_443, %swap3A_444, %swap3A_445], %gather3A_400 {strides = array<i32>} : memref<16x5x200xf32, #tpu.memory_space<vmem>>, vector<16xf32>,
        %swap3A_447 = arith.constant 2 : i32
        %swap3A_448 = arith.index_cast %scan3A_93 : i32 to index
        %swap3A_449 = arith.index_cast %swap3A_447 : i32 to index
        %swap3A_450 = arith.constant 160 : index
        %swap3A_451 = tpu.vector_load %arg13[%swap3A_448, %swap3A_449, %swap3A_450] {strides = array<i32>} : memref<16x5x200xf32, #tpu.memory_space<vmem>>, vector<16xf32>,
        tpu.vector_store %arg13[%swap3A_448, %swap3A_449, %swap3A_450], %gather3A_401 {strides = array<i32>} : memref<16x5x200xf32, #tpu.memory_space<vmem>>, vector<16xf32>,
        %swap3A_452 = arith.constant 3 : i32
        %swap3A_453 = arith.index_cast %scan3A_93 : i32 to index
        %swap3A_454 = arith.index_cast %swap3A_452 : i32 to index
        %swap3A_455 = arith.constant 160 : index
        %swap3A_456 = tpu.vector_load %arg13[%swap3A_453, %swap3A_454, %swap3A_455] {strides = array<i32>} : memref<16x5x200xf32, #tpu.memory_space<vmem>>, vector<16xf32>,
        tpu.vector_store %arg13[%swap3A_453, %swap3A_454, %swap3A_455], %gather3A_402 {strides = array<i32>} : memref<16x5x200xf32, #tpu.memory_space<vmem>>, vector<16xf32>,
        %swap3A_457 = arith.constant 4 : i32
        %swap3A_458 = arith.index_cast %scan3A_93 : i32 to index
        %swap3A_459 = arith.index_cast %swap3A_457 : i32 to index
        %swap3A_460 = arith.constant 160 : index
        %swap3A_461 = tpu.vector_load %arg13[%swap3A_458, %swap3A_459, %swap3A_460] {strides = array<i32>} : memref<16x5x200xf32, #tpu.memory_space<vmem>>, vector<16xf32>,
        tpu.vector_store %arg13[%swap3A_458, %swap3A_459, %swap3A_460], %gather3A_403 {strides = array<i32>} : memref<16x5x200xf32, #tpu.memory_space<vmem>>, vector<16xf32>,
        %get3A_462 = arith.index_cast %scan3A_93 : i32 to index
        %get3A_463 = arith.constant 184 : index
        %get3A_464 = tpu.vector_load %arg11[%get3A_462, %get3A_463] {strides = array<i32>} : memref<16x200xi32, #tpu.memory_space<vmem>>, vector<16xi32>,
        %gather3A_465 = tpu.vector_load_idx %arg5[%get3A_464] : memref<48xf32, #tpu.memory_space<vmem>>[vector<16xi32>], vector<16xf32>,
        %gather3A_466 = tpu.vector_load_idx %arg6[%get3A_464] : memref<48xf32, #tpu.memory_space<vmem>>[vector<16xi32>], vector<16xf32>,
        %gather3A_467 = tpu.vector_load_idx %arg7[%get3A_464] : memref<48xf32, #tpu.memory_space<vmem>>[vector<16xi32>], vector<16xf32>,
        %gather3A_468 = tpu.vector_load_idx %arg8[%get3A_464] : memref<48xf32, #tpu.memory_space<vmem>>[vector<16xi32>], vector<16xf32>,
        %gather3A_469 = tpu.vector_load_idx %arg9[%get3A_464] : memref<48xf32, #tpu.memory_space<vmem>>[vector<16xi32>], vector<16xf32>,
        %swap3A_470 = arith.constant 0 : i32
        %swap3A_471 = arith.index_cast %scan3A_93 : i32 to index
        %swap3A_472 = arith.index_cast %swap3A_470 : i32 to index
        %swap3A_473 = arith.constant 176 : index
        %swap3A_474 = tpu.vector_load %arg13[%swap3A_471, %swap3A_472, %swap3A_473] {strides = array<i32>} : memref<16x5x200xf32, #tpu.memory_space<vmem>>, vector<16xf32>,
        tpu.vector_store %arg13[%swap3A_471, %swap3A_472, %swap3A_473], %gather3A_432 {strides = array<i32>} : memref<16x5x200xf32, #tpu.memory_space<vmem>>, vector<16xf32>,
        %swap3A_475 = arith.constant 1 : i32
        %swap3A_476 = arith.index_cast %scan3A_93 : i32 to index
        %swap3A_477 = arith.index_cast %swap3A_475 : i32 to index
        %swap3A_478 = arith.constant 176 : index
        %swap3A_479 = tpu.vector_load %arg13[%swap3A_476, %swap3A_477, %swap3A_478] {strides = array<i32>} : memref<16x5x200xf32, #tpu.memory_space<vmem>>, vector<16xf32>,
        tpu.vector_store %arg13[%swap3A_476, %swap3A_477, %swap3A_478], %gather3A_433 {strides = array<i32>} : memref<16x5x200xf32, #tpu.memory_space<vmem>>, vector<16xf32>,
        %swap3A_480 = arith.constant 2 : i32
        %swap3A_481 = arith.index_cast %scan3A_93 : i32 to index
        %swap3A_482 = arith.index_cast %swap3A_480 : i32 to index
        %swap3A_483 = arith.constant 176 : index
        %swap3A_484 = tpu.vector_load %arg13[%swap3A_481, %swap3A_482, %swap3A_483] {strides = array<i32>} : memref<16x5x200xf32, #tpu.memory_space<vmem>>, vector<16xf32>,
        tpu.vector_store %arg13[%swap3A_481, %swap3A_482, %swap3A_483], %gather3A_434 {strides = array<i32>} : memref<16x5x200xf32, #tpu.memory_space<vmem>>, vector<16xf32>,
        %swap3A_485 = arith.constant 3 : i32
        %swap3A_486 = arith.index_cast %scan3A_93 : i32 to index
        %swap3A_487 = arith.index_cast %swap3A_485 : i32 to index
        %swap3A_488 = arith.constant 176 : index
        %swap3A_489 = tpu.vector_load %arg13[%swap3A_486, %swap3A_487, %swap3A_488] {strides = array<i32>} : memref<16x5x200xf32, #tpu.memory_space<vmem>>, vector<16xf32>,
        tpu.vector_store %arg13[%swap3A_486, %swap3A_487, %swap3A_488], %gather3A_435 {strides = array<i32>} : memref<16x5x200xf32, #tpu.memory_space<vmem>>, vector<16xf32>,
        %swap3A_490 = arith.constant 4 : i32
        %swap3A_491 = arith.index_cast %scan3A_93 : i32 to index
        %swap3A_492 = arith.index_cast %swap3A_490 : i32 to index
        %swap3A_493 = arith.constant 176 : index
        %swap3A_494 = tpu.vector_load %arg13[%swap3A_491, %swap3A_492, %swap3A_493] {strides = array<i32>} : memref<16x5x200xf32, #tpu.memory_space<vmem>>, vector<16xf32>,
        tpu.vector_store %arg13[%swap3A_491, %swap3A_492, %swap3A_493], %gather3A_436 {strides = array<i32>} : memref<16x5x200xf32, #tpu.memory_space<vmem>>, vector<16xf32>,
        %swap3A_495 = arith.constant 0 : i32
        %swap3A_496 = arith.index_cast %scan3A_93 : i32 to index
        %swap3A_497 = arith.index_cast %swap3A_495 : i32 to index
        %swap3A_498 = arith.constant 184 : index
        %swap3A_499 = tpu.vector_load %arg13[%swap3A_496, %swap3A_497, %swap3A_498] {strides = array<i32>} : memref<16x5x200xf32, #tpu.memory_space<vmem>>, vector<16xf32>,
        tpu.vector_store %arg13[%swap3A_496, %swap3A_497, %swap3A_498], %gather3A_465 {strides = array<i32>} : memref<16x5x200xf32, #tpu.memory_space<vmem>>, vector<16xf32>,
        %swap3A_500 = arith.constant 1 : i32
        %swap3A_501 = arith.index_cast %scan3A_93 : i32 to index
        %swap3A_502 = arith.index_cast %swap3A_500 : i32 to index
        %swap3A_503 = arith.constant 184 : index
        %swap3A_504 = tpu.vector_load %arg13[%swap3A_501, %swap3A_502, %swap3A_503] {strides = array<i32>} : memref<16x5x200xf32, #tpu.memory_space<vmem>>, vector<16xf32>,
        tpu.vector_store %arg13[%swap3A_501, %swap3A_502, %swap3A_503], %gather3A_466 {strides = array<i32>} : memref<16x5x200xf32, #tpu.memory_space<vmem>>, vector<16xf32>,
        %swap3A_505 = arith.constant 2 : i32
        %swap3A_506 = arith.index_cast %scan3A_93 : i32 to index
        %swap3A_507 = arith.index_cast %swap3A_505 : i32 to index
        %swap3A_508 = arith.constant 184 : index
        %swap3A_509 = tpu.vector_load %arg13[%swap3A_506, %swap3A_507, %swap3A_508] {strides = array<i32>} : memref<16x5x200xf32, #tpu.memory_space<vmem>>, vector<16xf32>,
        tpu.vector_store %arg13[%swap3A_506, %swap3A_507, %swap3A_508], %gather3A_467 {strides = array<i32>} : memref<16x5x200xf32, #tpu.memory_space<vmem>>, vector<16xf32>,
        %swap3A_510 = arith.constant 3 : i32
        %swap3A_511 = arith.index_cast %scan3A_93 : i32 to index
        %swap3A_512 = arith.index_cast %swap3A_510 : i32 to index
        %swap3A_513 = arith.constant 184 : index
        %swap3A_514 = tpu.vector_load %arg13[%swap3A_511, %swap3A_512, %swap3A_513] {strides = array<i32>} : memref<16x5x200xf32, #tpu.memory_space<vmem>>, vector<16xf32>,
        tpu.vector_store %arg13[%swap3A_511, %swap3A_512, %swap3A_513], %gather3A_468 {strides = array<i32>} : memref<16x5x200xf32, #tpu.memory_space<vmem>>, vector<16xf32>,
        %swap3A_515 = arith.constant 4 : i32
        %swap3A_516 = arith.index_cast %scan3A_93 : i32 to index
        %swap3A_517 = arith.index_cast %swap3A_515 : i32 to index
        %swap3A_518 = arith.constant 184 : index
        %swap3A_519 = tpu.vector_load %arg13[%swap3A_516, %swap3A_517, %swap3A_518] {strides = array<i32>} : memref<16x5x200xf32, #tpu.memory_space<vmem>>, vector<16xf32>,
        tpu.vector_store %arg13[%swap3A_516, %swap3A_517, %swap3A_518], %gather3A_469 {strides = array<i32>} : memref<16x5x200xf32, #tpu.memory_space<vmem>>, vector<16xf32>,
      }
      %scan3A_81 = arith.constant 16 : i32
      %dma_start3A_82 = arith.constant 0 : i32
      %dma_start3A_83 = arith.constant 0 : i32
      %dma_start3A_84 = tpu.memref_slice %arg4[%add3A_66, %dma_start3A_82, %dma_start3A_83] : memref<16384x5x200xf32, #tpu.memory_space<hbm>> -> memref<16x5x200xf32, #tpu.memory_space<hbm>>
      %dma_start3A_85 = arith.constant 0 : i32
      %dma_start3A_86 = arith.constant 0 : i32
      %dma_start3A_87 = tpu.memref_slice %arg4[%add3A_66, %dma_start3A_85, %dma_start3A_86] : memref<16384x5x200xf32, #tpu.memory_space<hbm>> -> memref<16x5x200xf32, #tpu.memory_space<hbm>>
      tpu.enqueue_dma source(%arg13 : memref<16x5x200xf32, #tpu.memory_space<vmem>>) target(%dma_start3A_87 : memref<16x5x200xf32, #tpu.memory_space<hbm>>) target_semaphore(%arg17 : memref<!tpu.dma_semaphore, #tpu.memory_space<semaphore_mem>>)
      %lt3A_88 = arith.constant 15 : i32
      %lt3A_89 = arith.cmpi slt, %scan3A_30, %lt3A_88 : i32
      %convert_element_type3A_90 = arith.extui %lt3A_89 : i1 to i32
      %cond3A_91 = arith.constant 0 : i32
      %cond3A_92 = arith.cmpi ne, %convert_element_type3A_90, %cond3A_91 : i32
      scf.if %cond3A_92 {
        %add3A_93 = arith.constant 32 : i32
        %add3A_94 = arith.addi %add3A_66, %add3A_93 : i32
        %dma_start3A_95 = arith.constant 0 : i32
        %dma_start3A_96 = tpu.memref_slice %arg2[%add3A_94, %dma_start3A_95] : memref<16384x200xi32, #tpu.memory_space<hbm>> -> memref<16x200xi32, #tpu.memory_space<hbm>>
        %dma_start3A_97 = arith.constant 0 : i32
        %dma_start3A_98 = tpu.memref_slice %arg2[%add3A_94, %dma_start3A_97] : memref<16384x200xi32, #tpu.memory_space<hbm>> -> memref<16x200xi32, #tpu.memory_space<hbm>>
        tpu.enqueue_dma source(%dma_start3A_98 : memref<16x200xi32, #tpu.memory_space<hbm>>) target(%arg11 : memref<16x200xi32, #tpu.memory_space<vmem>>) target_semaphore(%arg15 : memref<!tpu.dma_semaphore, #tpu.memory_space<semaphore_mem>>)
      } else {
      }
    }
    %scan3A_18 = arith.constant 16 : i32
    %dma_wait3A = arith.constant 0 : i32
    %dma_wait3A_19 = arith.constant 0 : i32
    %dma_wait3A_20 = tpu.memref_slice %arg4[%mul3A_2, %dma_wait3A, %dma_wait3A_19] : memref<16384x5x200xf32, #tpu.memory_space<hbm>> -> memref<16x5x200xf32, #tpu.memory_space<hbm>>
    %dma_wait3A_21 = arith.constant 0 : i32
    %dma_wait3A_22 = arith.constant 0 : i32
    %dma_wait3A_23 = tpu.memref_slice %arg4[%mul3A_2, %dma_wait3A_21, %dma_wait3A_22] : memref<16384x5x200xf32, #tpu.memory_space<hbm>> -> memref<16x5x200xf32, #tpu.memory_space<hbm>>
    tpu.wait_dma2 semaphore(%arg16 : memref<!tpu.dma_semaphore, #tpu.memory_space<semaphore_mem>>) src(%arg12 : memref<16x5x200xf32, #tpu.memory_space<vmem>>) dst(%dma_wait3A_23 : memref<16x5x200xf32, #tpu.memory_space<hbm>>)
    %dma_wait3A_24 = arith.constant 0 : i32
    %dma_wait3A_25 = arith.constant 0 : i32
    %dma_wait3A_26 = tpu.memref_slice %arg4[%mul3A_2, %dma_wait3A_24, %dma_wait3A_25] : memref<16384x5x200xf32, #tpu.memory_space<hbm>> -> memref<16x5x200xf32, #tpu.memory_space<hbm>>
    %dma_wait3A_27 = arith.constant 0 : i32
    %dma_wait3A_28 = arith.constant 0 : i32
    %dma_wait3A_29 = tpu.memref_slice %arg4[%mul3A_2, %dma_wait3A_27, %dma_wait3A_28] : memref<16384x5x200xf32, #tpu.memory_space<hbm>> -> memref<16x5x200xf32, #tpu.memory_space<hbm>>
    tpu.wait_dma2 semaphore(%arg17 : memref<!tpu.dma_semaphore, #tpu.memory_space<semaphore_mem>>) src(%arg13 : memref<16x5x200xf32, #tpu.memory_space<vmem>>) dst(%dma_wait3A_29 : memref<16x5x200xf32, #tpu.memory_space<hbm>>)
    return
  }
}

</mosaic_0001>

<sc_bundles>
// kernel: kernel.3.cloned.1.call-start
scs
__scs_entry_jumppad:
0x0: {  	(pc) =	sbr.rel $0x88, $3  }
0x1: {  	(tag) =	ssettag $0x0;
	lr =	simm.s32 $0x1  }
0x2: {  	[smem:$0x3F9F] =	sst lr;
	_ =	strace $0xD0000000  }
0x3: {  	_ = 	snop  }
0x4: {  	_ = 	snop  }
0x5: {  	_ = 	snop  }
0x6: {  	_ = 	snop  }
0x7: {  	_ = 	snop  }
__scs_overlays_trampoline_lowered:
0x8: {  	[smem:$0x3FAE] =	sst s0  }
0x9: {  	[smem:$0x3FAF] =	sst s1  }
0xa: {  	[smem:$0x3FB0] =	sst s2  }
0xb: {  	[smem:$0x3FB1] =	sst s3  }
0xc: {  	[smem:$0x3FB2] =	sst s4  }
0xd: {  	[smem:$0x3FB3] =	sst s5  }
0xe: {  	[smem:$0x3FB4] =	sst s6  }
0xf: {  	[smem:$0x3FB5] =	sst s7  }
0x10: {  	[smem:$0x3FB6] =	sst s8  }
0x11: {  	[smem:$0x3FB7] =	sst s9;
	s0 =	simm.s32 @!p0 $0x0  }
0x12: {  	s1 =	sld [smem:$0x3F9D];
	s0 =	simm.s32 @p0 $0x1  }
0x13: {  	[smem:$0x3FB8] =	sst s0;
	s0 =	simm.s32 @!p1 $0x0  }
0x14: {  	s2 =	sld [smem:$0x3F9C];
	s0 =	simm.s32 @p1 $0x1  }
0x15: {  	[smem:$0x3FB9] =	sst s0;
	s0 =	simm.s32 @!p2 $0x0  }
0x16: {  	s3 =	sld [smem:$0x3FDB];
	s0 =	simm.s32 @p2 $0x1  }
0x17: {  	s4 =	simm.s32 $0x1BF5;
	[smem:$0x3FBB] =	sst s0  }
0x18: {  	s0 =	sld [smem:$0x3F9E];
	_ =	swait.ge [sflag:s4], $0x0  }
0x19: {  	s7 =	sld [smem:$0x3F9F]  }
0x1a: {  	s8 =	sadd.s32 $0xFFFFE003, lr  }
0x1b: {  	s9 =	sadd.s32 $0xFFFFFEF7, lr;
	s5 =	simm.s32 $0xFFFFFFFF;
	p2 =	slt.u32 s8, $0xFFFFF086  }
0x1c: {  	p1 =	slt.u32 s9, $0xF7A;
	s5 =	simm.s32 @!p2 $0x0  }
0x1d: {  	s5 =	simm.s32 @p1 $0x1;
	p0 =	seq.s32 s7, s2  }
0x1e: {  	s7 =	smul.u32 @!p0 $0xF7A, s2;
	p2 =	seq.s32 @!p0 s5, $0x0  }
0x1f: {  	s9 =	smul.u32 $0xF7A, s1;
	s8 =	simm.s32 @!p0 $0x1BF5;
	p2 =	por !p2, p0  }
0x20: {  	[sflag:s8] =	ssyncset.s32 @!p0 $0xFFFFF086;
	s6 =	sadd.s32 @!p0 s3, s7;
	s7 =	simm.s32 @!p0 $0x108  }
0x21: {  	s3 =	sadd.s32 s3, s9;
	s6 =	sadd.s32 @!p0 $0x88, s6;
	s7 =	simm.s32 @p2 $0x1082  }
0x22: {  	[simem:s7], [sflag:s8] =	dma.local @!p0 [hbm:s6], $0xF7A  }
0x23: {  	s9 =	sor.u32 $0xD0000000, s2;
	s6 =	simm.s32 $0x108;
	_ =	swait.ge @!p0 [sflag:s8], $0x0  }
0x24: {  	s3 =	sadd.s32 $0x88, s3;
	s6 =	simm.s32 @!p1 $0x1082;
	[sflag:s4] =	ssyncset.s32 $0xFFFFF086  }
0x25: {  	[simem:s6], [sflag:s4] =	dma.local [hbm:s3], $0xF7A  }
0x26: {  	[smem:$0x3F9F] =	sst s1;
	(tag) =	ssettag s2;
	_ =	strace s9  }
0x27: {  	s1 =	sld [smem:$0x3FAF]  }
0x28: {  	s2 =	sld [smem:$0x3FB0]  }
0x29: {  	s4 =	sld [smem:$0x3FB2]  }
0x2a: {  	p0 =	seq.s32 s5, $0x0;
	s5 =	sld [smem:$0x3FB3]  }
0x2b: {  	s6 =	sld [smem:$0x3FB4]  }
0x2c: {  	s7 =	sld [smem:$0x3FB5]  }
0x2d: {  	s3 =	simm.s32 $0x108;
	s8 =	sld [smem:$0x3FB6]  }
0x2e: {  	s3 =	simm.s32 @!p0 $0x1082;
	s9 =	sld [smem:$0x3FB7]  }
0x2f: {  	lr =	sadd.s32 s0, s3;
	s0 =	sld [smem:$0x3FAE]  }
0x30: {  	s3 =	sld [smem:$0x3FB1]  }
0x31: {  	[smem:$0x3FBA] =	sst s10  }
0x32: {  	s10 =	sld [smem:$0x3FB8];
	_ =	sdelay $0x3  }
0x33: {  	p0 =	seq.s32 s10, $0x1;
	s10 =	sld [smem:$0x3FBA];
	_ =	sdelay $0x3  }
0x34: {  	[smem:$0x3FBA] =	sst s10  }
0x35: {  	s10 =	sld [smem:$0x3FB9];
	_ =	sdelay $0x3  }
0x36: {  	p1 =	seq.s32 s10, $0x1;
	s10 =	sld [smem:$0x3FBA];
	_ =	sdelay $0x3  }
0x37: {  	[smem:$0x3FBA] =	sst s10  }
0x38: {  	s10 =	sld [smem:$0x3FBB]  }
0x39: {  	_ = 	snop;
	(pc) =	sbr.ind lr, $3  }
0x3a: {  	_ = 	snop  }
0x3b: {  	_ = 	snop  }
0x3c: {  	p2 =	seq.s32 s10, $0x1;
	s10 =	sld [smem:$0x3FBA]  }
0x3d: {  	_ =	shalt  }
0x3e: {  	_ =	shalt  }
0x3f: {  	_ =	shalt  }
0x40: {  	_ =	shalt  }
0x41: {  	_ =	shalt  }
0x42: {  	_ =	shalt  }
0x43: {  	_ =	shalt  }
0x44: {  	_ =	shalt  }
0x45: {  	_ =	shalt  }
0x46: {  	_ =	shalt  }
0x47: {  	_ =	shalt  }
0x48: {  	_ =	shalt  }
0x49: {  	_ =	shalt  }
0x4a: {  	_ =	shalt  }
0x4b: {  	_ =	shalt  }
0x4c: {  	_ =	shalt  }
0x4d: {  	_ =	shalt  }
0x4e: {  	_ =	shalt  }
0x4f: {  	_ =	shalt  }
0x50: {  	_ =	shalt  }
0x51: {  	_ =	shalt  }
0x52: {  	_ =	shalt  }
0x53: {  	_ =	shalt  }
0x54: {  	_ =	shalt  }
0x55: {  	_ =	shalt  }
0x56: {  	_ =	shalt  }
0x57: {  	_ =	shalt  }
0x58: {  	_ =	shalt  }
0x59: {  	_ =	shalt  }
0x5a: {  	_ =	shalt  }
0x5b: {  	_ =	shalt  }
0x5c: {  	_ =	shalt  }
0x5d: {  	_ =	shalt  }
0x5e: {  	_ =	shalt  }
0x5f: {  	_ =	shalt  }
0x60: {  	_ =	shalt  }
0x61: {  	_ =	shalt  }
0x62: {  	_ =	shalt  }
0x63: {  	_ =	shalt  }
0x64: {  	_ =	shalt  }
0x65: {  	_ =	shalt  }
0x66: {  	_ =	shalt  }
0x67: {  	_ =	shalt  }
0x68: {  	_ =	shalt  }
0x69: {  	_ =	shalt  }
0x6a: {  	_ =	shalt  }
0x6b: {  	_ =	shalt  }
0x6c: {  	_ =	shalt  }
0x6d: {  	_ =	shalt  }
0x6e: {  	_ =	shalt  }
0x6f: {  	_ =	shalt  }
0x70: {  	_ =	shalt  }
0x71: {  	_ =	shalt  }
0x72: {  	_ =	shalt  }
0x73: {  	_ =	shalt  }
0x74: {  	_ =	shalt  }
0x75: {  	_ =	shalt  }
0x76: {  	_ =	shalt  }
0x77: {  	_ =	shalt  }
0x78: {  	_ =	shalt  }
0x79: {  	_ =	shalt  }
0x7a: {  	_ =	shalt  }
0x7b: {  	_ =	shalt  }
0x7c: {  	_ =	shalt  }
0x7d: {  	_ =	shalt  }
0x7e: {  	_ =	shalt  }
0x7f: {  	_ =	shalt  }
0x80: {  	_ =	shalt  }
0x81: {  	_ =	shalt  }
0x82: {  	_ =	shalt  }
0x83: {  	_ =	shalt  }
0x84: {  	_ =	shalt  }
0x85: {  	_ =	shalt  }
0x86: {  	_ =	shalt  }
0x87: {  	_ =	shalt  }
.Lfunc_end0:
.L_simem_size_0:
called_computation_lowered:
.L_overlay_start_0:
0x88: {  	s2 =	sld [smem:$0x3FD9]  }
0x89: {  	s3 =	sld [smem:$0x3FFE];
	_ =	sdelay $0x1  }
0x8a: {  	s1 =	srdreg.scid  }
0x8b: {  	s0 =	sand.u32 $0x1, s1  }
0x8c: {  	s17 =	sshll.u32 s0, $0xA;
	s2 =	sadd.s32 s3, s2  }
0x8d: {  	s2 =	sadd.s32 s2, s17  }
0x8e: {  	[smem:$0x3FC6] =	sst s2  }
0x8f: {  	_ = 	snop  }
0x90: {  	s2 =	sld [smem:$0x3FD0];
	(tm) =	ssettm $0x1  }
0x91: {  	s18 =	sld [smem:$0x3FFB];
	_ =	sdelay $0x3  }
0x92: {  	_ =	strace s18  }
0x93: {  	s3 =	sld [smem:$0x3FFC];
	_ =	sdelay $0x3  }
0x94: {  	_ =	strace s3  }
0x95: {  	s3 =	sld [smem:$0x3FFD];
	_ =	sdelay $0x3  }
0x96: {  	_ =	strace s3  }
0x97: {  	_ =	strace $0x8FFFFFFF  }
0x98: {  	s19 =	sld [smem:$0x3FDB];
	_ =	sdelay $0x1  }
0x99: {  	s4 =	simm.s32 $_scs_section_size  }
0x9a: {  	s5 =	simm.s32 $_size__tile_overlayer_lowered;
	s6 =	simm.s32 $_tile_overlayer_lowered  }
0x9b: {  	s22 =	simm.s32 $0x1BFF;
	s21 =	sshll.u32 s6, $0x1;
	s3 =	sadd.s32 s4, s19  }
0x9c: {  	s7 =	simm.s32 $0x0;
	s20 =	sshll.u32 s5, $0x1;
	s5 =	sadd.s32 s21, s3  }
0x9d: {  	[timem:s7], [sflag:s22] =	dma.local [hbm:s5], s20  }
0x9e: {  	_ =	swait.ge [sflag:s22], s20  }
0x9f: {  	s4 =	ssub.s32 $0x0, s20;
	[sflag:s22] =	ssyncset.done $0x0  }
0xa0: {  	[sflag:s22] =	ssyncadd.s32 s4;
	_ =	sdelay $0x1  }
0xa1: {  	s23 =	simm.s32 $0x1B8B  }
0xa2: {  	_ =	swait.ge [sflag:s23], $0x1  }
0xa3: {  	[sflag:s23] =	ssyncset.done $0x0  }
0xa4: {  	s25 =	simm.s32 $0x1B8E;
	s24 =	sld [smem:$0x3FFE];
	[sflag:s23] =	ssyncadd.s32 $0xFFFFFFFF  }
0xa5: {  	s26 =	simm.s32 $execute0_lowered;
	[smem:$0x3FD2] =	sst s25  }
0xa6: {  	s5 =	sshll.u32 s26, $0x1;
	_ =	strace $0x80000046;
	[dreg:$0x1] =	wrdreg $0xFFFFFFFF  }
0xa7: {  	s28 =	simm.s32 $_size_execute0_lowered;
	s3 =	sadd.s32 s3, s5;
	[dreg:$0x0] =	wrdreg $0x0  }
0xa8: {  	s5 =	sshll.u32 s28, $0x1;
	[dreg:$0x2] =	wrdreg s3  }
0xa9: {  	[dreg:$0x3] =	wrdreg s5  }
0xaa: {  	[dreg:$0x4] =	wrdreg $0xC0  }
0xab: {  	_ =	task [dreg:s7], $0x5FFFF  }
0xac: {  	[dreg:$0x1] =	wrdreg $0xFFFFFFFF  }
0xad: {  	[dreg:$0x0] =	wrdreg $0x60  }
0xae: {  	[dreg:$0x2] =	wrdreg s2  }
0xaf: {  	[dreg:$0x3] =	wrdreg s24  }
0xb0: {  	[dreg:$0x4] =	wrdreg $0x9  }
0xb1: {  	_ =	task.clear_ibuf [dreg:s7], $0x5FFFF;
	_ =	strace $0x90000046  }
0xb2: {  	s29 =	simm.s32 $0x9;
	_ =	strace $0x80000048  }
0xb3: {  	_ =	swait.ge [sflag:s29], $0x1  }
0xb4: {  	[sflag:s29] =	ssyncadd.s32 $0xFFFFFFFF  }
0xb5: {  	_ =	strace $0x90000048  }
0xb6: {  	_ =	sfence  }
0xb7: {  	s30 =	sld [smem:$0x0];
	_ =	sdelay $0x2  }
0xb8: {  	s31 =	sshll.u32 s1, $0xD;
	s1 =	sshrl.u32 s1, $0x2  }
0xb9: {  	s3 =	sand.u32 $0x4000, s31;
	s1 =	sadd.s32 s1, s30  }
0xba: {  	s0 =	sor.u32 s3, s0;
	s1 =	sshll.u32 s1, $0x11  }
0xbb: {  	s0 =	sor.u32 s1, s0  }
0xbc: {  	s0 =	sadd.s32 $0x8F2B, s0  }
0xbd: {  	[sflag:s0] =	ssyncadd.remote.s32 $0x1  }
0xbe: {  	_ =	sfence.sel $0xFFFF  }
0xbf: {  	[dreg:$0x0] =	wrdreg $0xFFFFFFFF;
	(pc) =	sbr.abs _section_cstart, $3  }
0xc0: {  	[dreg:$0x1] =	wrdreg $0xFFFFFFFF  }
0xc1: {  	_ =	task.clear_ibuf [dreg:s7], $0x2FFFF;
	_ =	strace $0x9FFFFFFF  }
0xc2: {  	(tm) =	ssettm $0x7FFFFFFF  }
0xc3: {  	_ =	shalt  }
tec
execute0_lowered:
.L_overlay_start_1:
0x0: {  	(tag) =	ssettag $0x1  }
0x1: {  	s0 =	rddreg [dreg:$0x0]  }
0x2: {  	s1 =	rddreg [dreg:$0x1]  }
0x3: {  	s3 =	simm.s32 $0x0;
	s2 =	srdreg.scid;
	s4 =	stileid.u32  }
0x4: {  	s14 =	simm.s32 $0x5;
	s15 =	simm.s32 $0x80;
	s16 =	simm.s32 $0x100  }
0x5: {  	s17 =	simm.s32 $0x180;
	s18 =	simm.s32 $0x200;
	s20 =	simm.s32 $0x1280  }
0x6: {  	s21 =	simm.s32 $0x1;
	s22 =	simm.s32 $0x2280;
	s23 =	simm.s32 $0x2  }
0x7: {  	s24 =	simm.s32 $0xA280;
	s25 =	simm.s32 $0x3;
	s26 =	simm.s32 $0x4  }
0x8: {  	s28 =	simm.s32 $0x0;
	[smem:$0x7FF] =	sst s3;
	s2 =	sand.u32 $0x1, s2  }
0x9: {  	s5 =	sshll.u32 s4, $0xA;
	s4 =	sadd.s32 $0x200, s1;
	s8 =	sadd.s32 $0x12, s1  }
.Ltmp0:
0xa: {  	s6 =	ssub.s32 $0x2, s2;
	s2 =	sshll.u32 s2, $0x9;
	(pc) =	sbr.rel .LBB2_1-.Ltmp0, $4  }
0xb: {  	s10 =	sadd.s32 $0x18, s1;
	s12 =	sadd.s32 $0x400, s0;
	s5 =	sor.u32 s2, s5  }
0xc: {  	_ =	strace $0x80000047;
	s7 =	sshrl.u32 s6, $0x1;
	s9 =	sshll.u32 s5, $0x5  }
0xd: {  	s31 =	ssub.s32 s6, s7;
	s6 =	sadd.s32 $0x6, s1;
	s9 =	sadd.s32 s0, s9  }
0xe: {  	s7 =	sadd.s32 $0xC, s1;
	s13 =	smax.u32 s31, $0x1;
	s11 =	sadd.s32 $0x200, s9  }
.LBB2_8:
0xf: {  	s28 =	sadd.s32 $0x1, s28  }
0x10: {  	_ =	swait.ge [sflag:s25], $0x8000;
	p0 =	sne.s32 s28, s13  }
.Ltmp1:
0x11: {  	[sflag:s25] =	ssyncset.done $0x0;
	(pc) =	sbr.rel @!p0 .LBB2_9-.Ltmp1, $4  }
0x12: {  	[sflag:s25] =	ssyncadd.s32 $0xFFFF8000  }
0x13: {  	_ =	swait.ge [sflag:s26], $0x8000  }
0x14: {  	[sflag:s26] =	ssyncset.done $0x0  }
0x15: {  	[sflag:s26] =	ssyncadd.s32 $0xFFFF8000  }
.LBB2_1:
0x16: {  	s0 =	rddreg [dreg:$0x1]  }
0x17: {  	[tilespmem:s3], [sflag:$0x5] =	stream.linear.gather [hbm4b:s0+s3], $0x30, $0x38;
	[tilespmem:$0x12280] =	vst v63  }
0x18: {  	_ =	swait.ge [sflag:s14], $0x30  }
0x19: {  	[sflag:s14] =	ssyncset.done $0x0  }
0x1a: {  	[sflag:s14] =	ssyncadd.s32 $0xFFFFFFD0  }
0x1b: {  	[tilespmem:s15], [sflag:$0x5] =	stream.linear.gather [hbm4b:s6+s3], $0x30, $0x38;
	[tilespmem:$0x12280] =	vst v63  }
0x1c: {  	_ =	swait.ge [sflag:s14], $0x30  }
0x1d: {  	[sflag:s14] =	ssyncset.done $0x0  }
0x1e: {  	[sflag:s14] =	ssyncadd.s32 $0xFFFFFFD0  }
0x1f: {  	[tilespmem:s16], [sflag:$0x5] =	stream.linear.gather [hbm4b:s7+s3], $0x30, $0x38;
	[tilespmem:$0x12280] =	vst v63  }
0x20: {  	_ =	swait.ge [sflag:s14], $0x30  }
0x21: {  	[sflag:s14] =	ssyncset.done $0x0  }
0x22: {  	[sflag:s14] =	ssyncadd.s32 $0xFFFFFFD0  }
0x23: {  	[tilespmem:s17], [sflag:$0x5] =	stream.linear.gather [hbm4b:s8+s3], $0x30, $0x38;
	[tilespmem:$0x12280] =	vst v63  }
0x24: {  	_ =	swait.ge [sflag:s14], $0x30  }
0x25: {  	[sflag:s14] =	ssyncset.done $0x0  }
0x26: {  	[sflag:s14] =	ssyncadd.s32 $0xFFFFFFD0  }
0x27: {  	[tilespmem:s18], [sflag:$0x5] =	stream.linear.gather [hbm4b:s10+s3], $0x30, $0x38;
	[tilespmem:$0x12280] =	vst v63  }
0x28: {  	_ =	swait.ge [sflag:s14], $0x30  }
0x29: {  	[sflag:s14] =	ssyncset.done $0x0  }
0x2a: {  	s31 =	simm.s32 $0x280;
	[sflag:s14] =	ssyncadd.s32 $0xFFFFFFD0  }
0x2b: {  	[tilespmem:s31], [sflag:$0x1] =	stream.linear.gather [hbm4b:s9+s3], $0x1000, $0x38;
	[tilespmem:$0x12280] =	vst v63  }
0x2c: {  	s29 =	simm.s32 $0x0  }
0x2d: {  	[tilespmem:s20], [sflag:$0x2] =	stream.linear.gather [hbm4b:s11+s3], $0x1000, $0x38;
	[tilespmem:$0x12280] =	vst v63  }
.LBB2_2:
0x2e: {  	_ =	swait.ge [sflag:s21], $0x1000  }
0x2f: {  	p0 =	seq.s32 s29, $0x0;
	[sflag:s21] =	ssyncset.done $0x0  }
0x30: {  	s0 =	simm.s32 @!p0 $0x3;
	[sflag:s21] =	ssyncadd.s32 $0xFFFFF000  }
0x31: {  	s2 =	sshll.u32 s29, $0x5;
	_ =	swait.ge @!p0 [sflag:s0], $0x8000  }
0x32: {  	s31 =	simm.s32 $0x0;
	s30 =	sor.u32 s5, s2;
	[sflag:s0] =	ssyncset.done @!p0 $0x0  }
0x33: {  	s2 =	simm.s32 $0x0;
	[sflag:s0] =	ssyncadd.s32 @!p0 $0xFFFF8000;
	s0 =	simm.s32 $0x2680  }
.LBB2_3:
0x34: {  	s19 =	sand.u32 $0x800, s2;
	s1 =	sand.u32 $0x380, s31  }
0x35: {  	s19 =	sor.u32 s1, s19  }
0x36: {  	v0 =	vld [tilespmem:s19+$0x280];
	_ =	sdelay $0x4  }
0x37: {  	v1 =	vld [tilespmem:s19+$0x290];
	_ =	sdelay $0x2  }
0x38: {  	v2 =	vld.idx.msk [tilespmem:v0+s3+$0x0], $0xffff  }
0x39: {  	v3 =	vld.idx.msk [tilespmem:v0+s15+$0x0], $0xffff  }
0x3a: {  	v4 =	vld.idx.msk [tilespmem:v0+s16+$0x0], $0xffff  }
0x3b: {  	v5 =	vld.idx.msk [tilespmem:v0+s17+$0x0], $0xffff  }
0x3c: {  	v0 =	vld.idx.msk [tilespmem:v0+s18+$0x0], $0xffff  }
0x3d: {  	v6 =	vld.idx.msk [tilespmem:v1+s3+$0x0], $0xffff  }
0x3e: {  	v7 =	vld.idx.msk [tilespmem:v1+s15+$0x0], $0xffff  }
0x3f: {  	v8 =	vld.idx.msk [tilespmem:v1+s16+$0x0], $0xffff  }
0x40: {  	v9 =	vld.idx.msk [tilespmem:v1+s17+$0x0], $0xffff  }
0x41: {  	v1 =	vld.idx.msk [tilespmem:v1+s18+$0x0], $0xffff;
	[tilespmem:s0+$0xFFFFFC00] =	vst v2  }
0x42: {  	[tilespmem:s0+$0xFFFFFC80] =	vst v3  }
0x43: {  	[tilespmem:s0+$0xFFFFFD00] =	vst v4  }
0x44: {  	[tilespmem:s0+$0xFFFFFD80] =	vst v5  }
0x45: {  	[tilespmem:s0+$0xFFFFFE00] =	vst v0  }
0x46: {  	v0 =	vld [tilespmem:s19+$0x2A0];
	_ =	sdelay $0x7  }
0x47: {  	v2 =	vld.idx.msk [tilespmem:v0+s3+$0x0], $0xffff  }
0x48: {  	v3 =	vld.idx.msk [tilespmem:v0+s15+$0x0], $0xffff  }
0x49: {  	v4 =	vld.idx.msk [tilespmem:v0+s16+$0x0], $0xffff  }
0x4a: {  	v5 =	vld.idx.msk [tilespmem:v0+s17+$0x0], $0xffff  }
0x4b: {  	v0 =	vld.idx.msk [tilespmem:v0+s18+$0x0], $0xffff;
	[tilespmem:s0+$0xFFFFFC10] =	vst v6  }
0x4c: {  	[tilespmem:s0+$0xFFFFFC90] =	vst v7  }
0x4d: {  	[tilespmem:s0+$0xFFFFFD10] =	vst v8  }
0x4e: {  	[tilespmem:s0+$0xFFFFFD90] =	vst v9  }
0x4f: {  	[tilespmem:s0+$0xFFFFFE10] =	vst v1  }
0x50: {  	v1 =	vld [tilespmem:s19+$0x2B0];
	_ =	sdelay $0x7  }
0x51: {  	v6 =	vld.idx.msk [tilespmem:v1+s3+$0x0], $0xffff  }
0x52: {  	v7 =	vld.idx.msk [tilespmem:v1+s15+$0x0], $0xffff  }
0x53: {  	v8 =	vld.idx.msk [tilespmem:v1+s16+$0x0], $0xffff  }
0x54: {  	v9 =	vld.idx.msk [tilespmem:v1+s17+$0x0], $0xffff  }
0x55: {  	v1 =	vld.idx.msk [tilespmem:v1+s18+$0x0], $0xffff;
	[tilespmem:s0+$0xFFFFFC20] =	vst v2  }
0x56: {  	[tilespmem:s0+$0xFFFFFCA0] =	vst v3  }
0x57: {  	[tilespmem:s0+$0xFFFFFD20] =	vst v4  }
0x58: {  	[tilespmem:s0+$0xFFFFFDA0] =	vst v5  }
0x59: {  	[tilespmem:s0+$0xFFFFFE20] =	vst v0  }
0x5a: {  	v0 =	vld [tilespmem:s19+$0x2C0];
	_ =	sdelay $0x7  }
0x5b: {  	v2 =	vld.idx.msk [tilespmem:v0+s3+$0x0], $0xffff  }
0x5c: {  	v3 =	vld.idx.msk [tilespmem:v0+s15+$0x0], $0xffff  }
0x5d: {  	v4 =	vld.idx.msk [tilespmem:v0+s16+$0x0], $0xffff  }
0x5e: {  	v5 =	vld.idx.msk [tilespmem:v0+s17+$0x0], $0xffff  }
0x5f: {  	v0 =	vld.idx.msk [tilespmem:v0+s18+$0x0], $0xffff;
	[tilespmem:s0+$0xFFFFFC30] =	vst v6  }
0x60: {  	[tilespmem:s0+$0xFFFFFCB0] =	vst v7  }
0x61: {  	[tilespmem:s0+$0xFFFFFD30] =	vst v8  }
0x62: {  	[tilespmem:s0+$0xFFFFFDB0] =	vst v9  }
0x63: {  	[tilespmem:s0+$0xFFFFFE30] =	vst v1  }
0x64: {  	v1 =	vld [tilespmem:s19+$0x2D0];
	_ =	sdelay $0x7  }
0x65: {  	v6 =	vld.idx.msk [tilespmem:v1+s3+$0x0], $0xffff  }
0x66: {  	v7 =	vld.idx.msk [tilespmem:v1+s15+$0x0], $0xffff  }
0x67: {  	v8 =	vld.idx.msk [tilespmem:v1+s16+$0x0], $0xffff  }
0x68: {  	v9 =	vld.idx.msk [tilespmem:v1+s17+$0x0], $0xffff  }
0x69: {  	v1 =	vld.idx.msk [tilespmem:v1+s18+$0x0], $0xffff;
	[tilespmem:s0+$0xFFFFFC40] =	vst v2  }
0x6a: {  	[tilespmem:s0+$0xFFFFFCC0] =	vst v3  }
0x6b: {  	[tilespmem:s0+$0xFFFFFD40] =	vst v4  }
0x6c: {  	[tilespmem:s0+$0xFFFFFDC0] =	vst v5  }
0x6d: {  	[tilespmem:s0+$0xFFFFFE40] =	vst v0  }
0x6e: {  	v0 =	vld [tilespmem:s19+$0x2E0];
	_ =	sdelay $0x7  }
0x6f: {  	v2 =	vld.idx.msk [tilespmem:v0+s3+$0x0], $0xffff  }
0x70: {  	v3 =	vld.idx.msk [tilespmem:v0+s15+$0x0], $0xffff  }
0x71: {  	v4 =	vld.idx.msk [tilespmem:v0+s16+$0x0], $0xffff  }
0x72: {  	v5 =	vld.idx.msk [tilespmem:v0+s17+$0x0], $0xffff  }
0x73: {  	v0 =	vld.idx.msk [tilespmem:v0+s18+$0x0], $0xffff;
	[tilespmem:s0+$0xFFFFFC50] =	vst v6  }
0x74: {  	[tilespmem:s0+$0xFFFFFCD0] =	vst v7  }
0x75: {  	[tilespmem:s0+$0xFFFFFD50] =	vst v8  }
0x76: {  	[tilespmem:s0+$0xFFFFFDD0] =	vst v9  }
0x77: {  	[tilespmem:s0+$0xFFFFFE50] =	vst v1  }
0x78: {  	v1 =	vld [tilespmem:s19+$0x2F0];
	_ =	sdelay $0x7  }
0x79: {  	v6 =	vld.idx.msk [tilespmem:v1+s3+$0x0], $0xffff  }
0x7a: {  	v7 =	vld.idx.msk [tilespmem:v1+s15+$0x0], $0xffff  }
0x7b: {  	v8 =	vld.idx.msk [tilespmem:v1+s16+$0x0], $0xffff  }
0x7c: {  	v9 =	vld.idx.msk [tilespmem:v1+s17+$0x0], $0xffff  }
0x7d: {  	v1 =	vld.idx.msk [tilespmem:v1+s18+$0x0], $0xffff;
	[tilespmem:s0+$0xFFFFFC60] =	vst v2  }
0x7e: {  	[tilespmem:s0+$0xFFFFFCE0] =	vst v3  }
0x7f: {  	[tilespmem:s0+$0xFFFFFD60] =	vst v4  }
0x80: {  	[tilespmem:s0+$0xFFFFFDE0] =	vst v5  }
0x81: {  	[tilespmem:s0+$0xFFFFFE60] =	vst v0  }
0x82: {  	v0 =	vld [tilespmem:s19+$0x680];
	_ =	sdelay $0x7  }
0x83: {  	v2 =	vld.idx.msk [tilespmem:v0+s3+$0x0], $0xffff  }
0x84: {  	v3 =	vld.idx.msk [tilespmem:v0+s15+$0x0], $0xffff  }
0x85: {  	v4 =	vld.idx.msk [tilespmem:v0+s16+$0x0], $0xffff  }
0x86: {  	v5 =	vld.idx.msk [tilespmem:v0+s17+$0x0], $0xffff  }
0x87: {  	v0 =	vld.idx.msk [tilespmem:v0+s18+$0x0], $0xffff;
	[tilespmem:s0+$0xFFFFFC70] =	vst v6  }
0x88: {  	[tilespmem:s0+$0xFFFFFCF0] =	vst v7  }
0x89: {  	[tilespmem:s0+$0xFFFFFD70] =	vst v8  }
0x8a: {  	[tilespmem:s0+$0xFFFFFDF0] =	vst v9  }
0x8b: {  	[tilespmem:s0+$0xFFFFFE70] =	vst v1  }
0x8c: {  	v1 =	vld [tilespmem:s19+$0x690];
	_ =	sdelay $0x7  }
0x8d: {  	v6 =	vld.idx.msk [tilespmem:v1+s3+$0x0], $0xffff  }
0x8e: {  	v7 =	vld.idx.msk [tilespmem:v1+s15+$0x0], $0xffff  }
0x8f: {  	v8 =	vld.idx.msk [tilespmem:v1+s16+$0x0], $0xffff  }
0x90: {  	v9 =	vld.idx.msk [tilespmem:v1+s17+$0x0], $0xffff  }
0x91: {  	v1 =	vld.idx.msk [tilespmem:v1+s18+$0x0], $0xffff;
	[tilespmem:s0+$0x0] =	vst v2  }
0x92: {  	[tilespmem:s0+$0x80] =	vst v3  }
0x93: {  	[tilespmem:s0+$0x100] =	vst v4  }
0x94: {  	[tilespmem:s0+$0x180] =	vst v5  }
0x95: {  	[tilespmem:s0+$0x200] =	vst v0  }
0x96: {  	v0 =	vld [tilespmem:s19+$0x6A0];
	_ =	sdelay $0x7  }
0x97: {  	v2 =	vld.idx.msk [tilespmem:v0+s3+$0x0], $0xffff  }
0x98: {  	v3 =	vld.idx.msk [tilespmem:v0+s15+$0x0], $0xffff  }
0x99: {  	v4 =	vld.idx.msk [tilespmem:v0+s16+$0x0], $0xffff  }
0x9a: {  	v5 =	vld.idx.msk [tilespmem:v0+s17+$0x0], $0xffff  }
0x9b: {  	v0 =	vld.idx.msk [tilespmem:v0+s18+$0x0], $0xffff;
	[tilespmem:s0+$0x10] =	vst v6  }
0x9c: {  	[tilespmem:s0+$0x90] =	vst v7  }
0x9d: {  	[tilespmem:s0+$0x110] =	vst v8  }
0x9e: {  	[tilespmem:s0+$0x190] =	vst v9  }
0x9f: {  	[tilespmem:s0+$0x210] =	vst v1  }
0xa0: {  	v1 =	vld [tilespmem:s19+$0x6B0];
	_ =	sdelay $0x7  }
0xa1: {  	v6 =	vld.idx.msk [tilespmem:v1+s3+$0x0], $0xffff  }
0xa2: {  	v7 =	vld.idx.msk [tilespmem:v1+s15+$0x0], $0xffff  }
0xa3: {  	v8 =	vld.idx.msk [tilespmem:v1+s16+$0x0], $0xffff  }
0xa4: {  	v9 =	vld.idx.msk [tilespmem:v1+s17+$0x0], $0xffff  }
0xa5: {  	v1 =	vld.idx.msk [tilespmem:v1+s18+$0x0], $0xffff;
	[tilespmem:s0+$0x20] =	vst v2  }
0xa6: {  	[tilespmem:s0+$0xA0] =	vst v3  }
0xa7: {  	[tilespmem:s0+$0x120] =	vst v4  }
0xa8: {  	[tilespmem:s0+$0x1A0] =	vst v5  }
0xa9: {  	[tilespmem:s0+$0x220] =	vst v0  }
0xaa: {  	v0 =	vld [tilespmem:s19+$0x6B8];
	_ =	sdelay $0x7  }
0xab: {  	v2 =	vld.idx.msk [tilespmem:v0+s3+$0x0], $0xffff  }
0xac: {  	v3 =	vld.idx.msk [tilespmem:v0+s15+$0x0], $0xffff  }
0xad: {  	v4 =	vld.idx.msk [tilespmem:v0+s16+$0x0], $0xffff  }
0xae: {  	v5 =	vld.idx.msk [tilespmem:v0+s17+$0x0], $0xffff  }
0xaf: {  	v0 =	vld.idx.msk [tilespmem:v0+s18+$0x0], $0xffff;
	[tilespmem:s0+$0x30] =	vst v6  }
0xb0: {  	[tilespmem:s0+$0xB0] =	vst v7  }
0xb1: {  	[tilespmem:s0+$0x130] =	vst v8  }
0xb2: {  	[tilespmem:s0+$0x1B0] =	vst v9  }
0xb3: {  	p1 =	sne.s32 s2, $0xF00;
	[tilespmem:s0+$0x230] =	vst v1  }
.Ltmp2:
0xb4: {  	[tilespmem:s0+$0x38] =	vst v2;
	(pc) =	sbr.rel @p1 .LBB2_3-.Ltmp2, $4  }
0xb5: {  	[tilespmem:s0+$0xB8] =	vst v3  }
0xb6: {  	[tilespmem:s0+$0x138] =	vst v4  }
0xb7: {  	[tilespmem:s0+$0x1B8] =	vst v5  }
0xb8: {  	s31 =	sadd.s32 $0x80, s31;
	s2 =	sadd.s32 $0x100, s2;
	[tilespmem:s0+$0x238] =	vst v0;
	s0 =	sadd.s32 $0x800, s0  }
0xb9: {  	s0 =	sshll.u32 s30, $0x8  }
0xba: {  	p1 =	seq.s32 s29, $0xF;
	s0 =	sadd.s32 s4, s0  }
0xbb: {  	[hbm4b:s0+s3] =	stream.linear.scatter [tilespmem:s22], [sflag:$0x3], $0x8000, $0x38;
	[tilespmem:$0x12280] =	vst v63  }
0xbc: {  	s0 =	sshll.u32 @!p1 s30, $0x5  }
0xbd: {  	s1 =	simm.s32 @!p1 $0x0;
	s2 =	simm.s32 @!p1 $0x280;
	s0 =	sadd.s32 @!p1 s0, s12  }
0xbe: {  	[tilespmem:s2], [sflag:$0x1] =	stream.linear.gather @!p1 [hbm4b:s0+s1], $0x1000, $0x38;
	[tilespmem:$0x12280] =	vst v63  }
0xbf: {  	_ =	swait.ge [sflag:s23], $0x1000  }
0xc0: {  	[sflag:s23] =	ssyncset.done $0x0  }
0xc1: {  	s0 =	simm.s32 @!p0 $0x4;
	[sflag:s23] =	ssyncadd.s32 $0xFFFFF000  }
0xc2: {  	_ =	swait.ge @!p0 [sflag:s0], $0x8000  }
0xc3: {  	s31 =	simm.s32 $0x0;
	s30 =	sor.u32 $0x10, s30;
	[sflag:s0] =	ssyncset.done @!p0 $0x0  }
0xc4: {  	s2 =	simm.s32 $0x0;
	[sflag:s0] =	ssyncadd.s32 @!p0 $0xFFFF8000;
	s0 =	simm.s32 $0xA680  }
.LBB2_5:
0xc5: {  	s1 =	sand.u32 $0x800, s2;
	s19 =	sand.u32 $0x380, s31  }
0xc6: {  	s19 =	sor.u32 s19, s1  }
0xc7: {  	v0 =	vld [tilespmem:s19+$0x1280];
	_ =	sdelay $0x4  }
0xc8: {  	v1 =	vld [tilespmem:s19+$0x1290];
	_ =	sdelay $0x2  }
0xc9: {  	v2 =	vld.idx.msk [tilespmem:v0+s3+$0x0], $0xffff  }
0xca: {  	v3 =	vld.idx.msk [tilespmem:v0+s15+$0x0], $0xffff  }
0xcb: {  	v4 =	vld.idx.msk [tilespmem:v0+s16+$0x0], $0xffff  }
0xcc: {  	v5 =	vld.idx.msk [tilespmem:v0+s17+$0x0], $0xffff  }
0xcd: {  	v0 =	vld.idx.msk [tilespmem:v0+s18+$0x0], $0xffff  }
0xce: {  	v6 =	vld.idx.msk [tilespmem:v1+s3+$0x0], $0xffff  }
0xcf: {  	v7 =	vld.idx.msk [tilespmem:v1+s15+$0x0], $0xffff  }
0xd0: {  	v8 =	vld.idx.msk [tilespmem:v1+s16+$0x0], $0xffff  }
0xd1: {  	v9 =	vld.idx.msk [tilespmem:v1+s17+$0x0], $0xffff  }
0xd2: {  	v1 =	vld.idx.msk [tilespmem:v1+s18+$0x0], $0xffff;
	[tilespmem:s0+$0xFFFFFC00] =	vst v2  }
0xd3: {  	[tilespmem:s0+$0xFFFFFC80] =	vst v3  }
0xd4: {  	[tilespmem:s0+$0xFFFFFD00] =	vst v4  }
0xd5: {  	[tilespmem:s0+$0xFFFFFD80] =	vst v5  }
0xd6: {  	[tilespmem:s0+$0xFFFFFE00] =	vst v0  }
0xd7: {  	v0 =	vld [tilespmem:s19+$0x12A0];
	_ =	sdelay $0x7  }
0xd8: {  	v2 =	vld.idx.msk [tilespmem:v0+s3+$0x0], $0xffff  }
0xd9: {  	v3 =	vld.idx.msk [tilespmem:v0+s15+$0x0], $0xffff  }
0xda: {  	v4 =	vld.idx.msk [tilespmem:v0+s16+$0x0], $0xffff  }
0xdb: {  	v5 =	vld.idx.msk [tilespmem:v0+s17+$0x0], $0xffff  }
0xdc: {  	v0 =	vld.idx.msk [tilespmem:v0+s18+$0x0], $0xffff;
	[tilespmem:s0+$0xFFFFFC10] =	vst v6  }
0xdd: {  	[tilespmem:s0+$0xFFFFFC90] =	vst v7  }
0xde: {  	[tilespmem:s0+$0xFFFFFD10] =	vst v8  }
0xdf: {  	[tilespmem:s0+$0xFFFFFD90] =	vst v9  }
0xe0: {  	[tilespmem:s0+$0xFFFFFE10] =	vst v1  }
0xe1: {  	v1 =	vld [tilespmem:s19+$0x12B0];
	_ =	sdelay $0x7  }
0xe2: {  	v6 =	vld.idx.msk [tilespmem:v1+s3+$0x0], $0xffff  }
0xe3: {  	v7 =	vld.idx.msk [tilespmem:v1+s15+$0x0], $0xffff  }
0xe4: {  	v8 =	vld.idx.msk [tilespmem:v1+s16+$0x0], $0xffff  }
0xe5: {  	v9 =	vld.idx.msk [tilespmem:v1+s17+$0x0], $0xffff  }
0xe6: {  	v1 =	vld.idx.msk [tilespmem:v1+s18+$0x0], $0xffff;
	[tilespmem:s0+$0xFFFFFC20] =	vst v2  }
0xe7: {  	[tilespmem:s0+$0xFFFFFCA0] =	vst v3  }
0xe8: {  	[tilespmem:s0+$0xFFFFFD20] =	vst v4  }
0xe9: {  	[tilespmem:s0+$0xFFFFFDA0] =	vst v5  }
0xea: {  	[tilespmem:s0+$0xFFFFFE20] =	vst v0  }
0xeb: {  	v0 =	vld [tilespmem:s19+$0x12C0];
	_ =	sdelay $0x7  }
0xec: {  	v2 =	vld.idx.msk [tilespmem:v0+s3+$0x0], $0xffff  }
0xed: {  	v3 =	vld.idx.msk [tilespmem:v0+s15+$0x0], $0xffff  }
0xee: {  	v4 =	vld.idx.msk [tilespmem:v0+s16+$0x0], $0xffff  }
0xef: {  	v5 =	vld.idx.msk [tilespmem:v0+s17+$0x0], $0xffff  }
0xf0: {  	v0 =	vld.idx.msk [tilespmem:v0+s18+$0x0], $0xffff;
	[tilespmem:s0+$0xFFFFFC30] =	vst v6  }
0xf1: {  	[tilespmem:s0+$0xFFFFFCB0] =	vst v7  }
0xf2: {  	[tilespmem:s0+$0xFFFFFD30] =	vst v8  }
0xf3: {  	[tilespmem:s0+$0xFFFFFDB0] =	vst v9  }
0xf4: {  	[tilespmem:s0+$0xFFFFFE30] =	vst v1  }
0xf5: {  	v1 =	vld [tilespmem:s19+$0x12D0];
	_ =	sdelay $0x7  }
0xf6: {  	v6 =	vld.idx.msk [tilespmem:v1+s3+$0x0], $0xffff  }
0xf7: {  	v7 =	vld.idx.msk [tilespmem:v1+s15+$0x0], $0xffff  }
0xf8: {  	v8 =	vld.idx.msk [tilespmem:v1+s16+$0x0], $0xffff  }
0xf9: {  	v9 =	vld.idx.msk [tilespmem:v1+s17+$0x0], $0xffff  }
0xfa: {  	v1 =	vld.idx.msk [tilespmem:v1+s18+$0x0], $0xffff;
	[tilespmem:s0+$0xFFFFFC40] =	vst v2  }
0xfb: {  	[tilespmem:s0+$0xFFFFFCC0] =	vst v3  }
0xfc: {  	[tilespmem:s0+$0xFFFFFD40] =	vst v4  }
0xfd: {  	[tilespmem:s0+$0xFFFFFDC0] =	vst v5  }
0xfe: {  	[tilespmem:s0+$0xFFFFFE40] =	vst v0  }
0xff: {  	v0 =	vld [tilespmem:s19+$0x12E0];
	_ =	sdelay $0x7  }
0x100: {  	v2 =	vld.idx.msk [tilespmem:v0+s3+$0x0], $0xffff  }
0x101: {  	v3 =	vld.idx.msk [tilespmem:v0+s15+$0x0], $0xffff  }
0x102: {  	v4 =	vld.idx.msk [tilespmem:v0+s16+$0x0], $0xffff  }
0x103: {  	v5 =	vld.idx.msk [tilespmem:v0+s17+$0x0], $0xffff  }
0x104: {  	v0 =	vld.idx.msk [tilespmem:v0+s18+$0x0], $0xffff;
	[tilespmem:s0+$0xFFFFFC50] =	vst v6  }
0x105: {  	[tilespmem:s0+$0xFFFFFCD0] =	vst v7  }
0x106: {  	[tilespmem:s0+$0xFFFFFD50] =	vst v8  }
0x107: {  	[tilespmem:s0+$0xFFFFFDD0] =	vst v9  }
0x108: {  	[tilespmem:s0+$0xFFFFFE50] =	vst v1  }
0x109: {  	v1 =	vld [tilespmem:s19+$0x12F0];
	_ =	sdelay $0x7  }
0x10a: {  	v6 =	vld.idx.msk [tilespmem:v1+s3+$0x0], $0xffff  }
0x10b: {  	v7 =	vld.idx.msk [tilespmem:v1+s15+$0x0], $0xffff  }
0x10c: {  	v8 =	vld.idx.msk [tilespmem:v1+s16+$0x0], $0xffff  }
0x10d: {  	v9 =	vld.idx.msk [tilespmem:v1+s17+$0x0], $0xffff  }
0x10e: {  	v1 =	vld.idx.msk [tilespmem:v1+s18+$0x0], $0xffff;
	[tilespmem:s0+$0xFFFFFC60] =	vst v2  }
0x10f: {  	[tilespmem:s0+$0xFFFFFCE0] =	vst v3  }
0x110: {  	[tilespmem:s0+$0xFFFFFD60] =	vst v4  }
0x111: {  	[tilespmem:s0+$0xFFFFFDE0] =	vst v5  }
0x112: {  	[tilespmem:s0+$0xFFFFFE60] =	vst v0  }
0x113: {  	v0 =	vld [tilespmem:s19+$0x1680];
	_ =	sdelay $0x7  }
0x114: {  	v2 =	vld.idx.msk [tilespmem:v0+s3+$0x0], $0xffff  }
0x115: {  	v3 =	vld.idx.msk [tilespmem:v0+s15+$0x0], $0xffff  }
0x116: {  	v4 =	vld.idx.msk [tilespmem:v0+s16+$0x0], $0xffff  }
0x117: {  	v5 =	vld.idx.msk [tilespmem:v0+s17+$0x0], $0xffff  }
0x118: {  	v0 =	vld.idx.msk [tilespmem:v0+s18+$0x0], $0xffff;
	[tilespmem:s0+$0xFFFFFC70] =	vst v6  }
0x119: {  	[tilespmem:s0+$0xFFFFFCF0] =	vst v7  }
0x11a: {  	[tilespmem:s0+$0xFFFFFD70] =	vst v8  }
0x11b: {  	[tilespmem:s0+$0xFFFFFDF0] =	vst v9  }
0x11c: {  	[tilespmem:s0+$0xFFFFFE70] =	vst v1  }
0x11d: {  	v1 =	vld [tilespmem:s19+$0x1690];
	_ =	sdelay $0x7  }
0x11e: {  	v6 =	vld.idx.msk [tilespmem:v1+s3+$0x0], $0xffff  }
0x11f: {  	v7 =	vld.idx.msk [tilespmem:v1+s15+$0x0], $0xffff  }
0x120: {  	v8 =	vld.idx.msk [tilespmem:v1+s16+$0x0], $0xffff  }
0x121: {  	v9 =	vld.idx.msk [tilespmem:v1+s17+$0x0], $0xffff  }
0x122: {  	v1 =	vld.idx.msk [tilespmem:v1+s18+$0x0], $0xffff;
	[tilespmem:s0+$0x0] =	vst v2  }
0x123: {  	[tilespmem:s0+$0x80] =	vst v3  }
0x124: {  	[tilespmem:s0+$0x100] =	vst v4  }
0x125: {  	[tilespmem:s0+$0x180] =	vst v5  }
0x126: {  	[tilespmem:s0+$0x200] =	vst v0  }
0x127: {  	v0 =	vld [tilespmem:s19+$0x16A0];
	_ =	sdelay $0x7  }
0x128: {  	v2 =	vld.idx.msk [tilespmem:v0+s3+$0x0], $0xffff  }
0x129: {  	v3 =	vld.idx.msk [tilespmem:v0+s15+$0x0], $0xffff  }
0x12a: {  	v4 =	vld.idx.msk [tilespmem:v0+s16+$0x0], $0xffff  }
0x12b: {  	v5 =	vld.idx.msk [tilespmem:v0+s17+$0x0], $0xffff  }
0x12c: {  	v0 =	vld.idx.msk [tilespmem:v0+s18+$0x0], $0xffff;
	[tilespmem:s0+$0x10] =	vst v6  }
0x12d: {  	[tilespmem:s0+$0x90] =	vst v7  }
0x12e: {  	[tilespmem:s0+$0x110] =	vst v8  }
0x12f: {  	[tilespmem:s0+$0x190] =	vst v9  }
0x130: {  	[tilespmem:s0+$0x210] =	vst v1  }
0x131: {  	v1 =	vld [tilespmem:s19+$0x16B0];
	_ =	sdelay $0x7  }
0x132: {  	v6 =	vld.idx.msk [tilespmem:v1+s3+$0x0], $0xffff  }
0x133: {  	v7 =	vld.idx.msk [tilespmem:v1+s15+$0x0], $0xffff  }
0x134: {  	v8 =	vld.idx.msk [tilespmem:v1+s16+$0x0], $0xffff  }
0x135: {  	v9 =	vld.idx.msk [tilespmem:v1+s17+$0x0], $0xffff  }
0x136: {  	v1 =	vld.idx.msk [tilespmem:v1+s18+$0x0], $0xffff;
	[tilespmem:s0+$0x20] =	vst v2  }
0x137: {  	[tilespmem:s0+$0xA0] =	vst v3  }
0x138: {  	[tilespmem:s0+$0x120] =	vst v4  }
0x139: {  	[tilespmem:s0+$0x1A0] =	vst v5  }
0x13a: {  	[tilespmem:s0+$0x220] =	vst v0  }
0x13b: {  	v0 =	vld [tilespmem:s19+$0x16B8];
	_ =	sdelay $0x7  }
0x13c: {  	v2 =	vld.idx.msk [tilespmem:v0+s3+$0x0], $0xffff  }
0x13d: {  	v3 =	vld.idx.msk [tilespmem:v0+s15+$0x0], $0xffff  }
0x13e: {  	v4 =	vld.idx.msk [tilespmem:v0+s16+$0x0], $0xffff  }
0x13f: {  	v5 =	vld.idx.msk [tilespmem:v0+s17+$0x0], $0xffff  }
0x140: {  	v0 =	vld.idx.msk [tilespmem:v0+s18+$0x0], $0xffff;
	[tilespmem:s0+$0x30] =	vst v6  }
0x141: {  	[tilespmem:s0+$0xB0] =	vst v7  }
0x142: {  	[tilespmem:s0+$0x130] =	vst v8  }
0x143: {  	[tilespmem:s0+$0x1B0] =	vst v9  }
0x144: {  	p0 =	sne.s32 s2, $0xF00;
	[tilespmem:s0+$0x230] =	vst v1  }
.Ltmp3:
0x145: {  	[tilespmem:s0+$0x38] =	vst v2;
	(pc) =	sbr.rel @p0 .LBB2_5-.Ltmp3, $4  }
0x146: {  	[tilespmem:s0+$0xB8] =	vst v3  }
0x147: {  	[tilespmem:s0+$0x138] =	vst v4  }
0x148: {  	[tilespmem:s0+$0x1B8] =	vst v5  }
0x149: {  	s31 =	sadd.s32 $0x80, s31;
	s2 =	sadd.s32 $0x100, s2;
	[tilespmem:s0+$0x238] =	vst v0;
	s0 =	sadd.s32 $0x800, s0  }
.Ltmp4:
0x14a: {  	(pc) =	sbr.rel @p1 .LBB2_8-.Ltmp4, $4  }
0x14b: {  	_ = 	snop  }
0x14c: {  	s0 =	sshll.u32 s30, $0x8  }
0x14d: {  	s0 =	sadd.s32 s4, s0  }
0x14e: {  	[hbm4b:s0+s3] =	stream.linear.scatter [tilespmem:s24], [sflag:$0x4], $0x8000, $0x38;
	[tilespmem:$0x12280] =	vst v63  }
.Ltmp5:
0x14f: {  	(pc) =	sbr.rel .LBB2_2-.Ltmp5, $4  }
0x150: {  	_ = 	snop  }
0x151: {  	s0 =	sshll.u32 s30, $0x5  }
0x152: {  	s29 =	sadd.s32 $0x1, s29;
	s0 =	sadd.s32 s0, s12  }
0x153: {  	[tilespmem:s20], [sflag:$0x2] =	stream.linear.gather [hbm4b:s0+s3], $0x1000, $0x38;
	[tilespmem:$0x12280] =	vst v63  }
.LBB2_9:
0x154: {  	_ =	sfence.sel $0x180000  }
0x155: {  	[bflag:$0x0] =	sbarrier.arrive $0xFFFF  }
0x156: {  	_ =	strace $0x90000047  }
0x157: {  	s0 =	stileid.u32;
	[bflag:$0x2] =	sbarrier.arrive $0xFFFF  }
0x158: {  	p0 =	sne.s32 s0, $0x0;
	s0 =	rddreg [dreg:$0x2]  }
0x159: {  	s0 =	sadd.s32 @!p0 $0x100000, s0  }
0x15a: {  	[sflag:s0] =	ssyncadd.tile.s32 @!p0 $0x1;
	_ =	shalt  }
.Lfunc_end2:
_tile_overlayer_lowered:
.L_overlay_start_2:
0x15b: {  	(tag) =	ssettag $0x2  }
0x15c: {  	s0 =	rddreg [dreg:$0x0];
	s2 =	stileid.u32  }
0x15d: {  	s1 =	rddreg [dreg:$0x1];
	p0 =	sne.s32 s2, $0x0  }
0x15e: {  	s3 =	rddreg [dreg:$0x2];
	[bflag:$0x3] =	sbarrier.arrive $0xFFFF;
	s2 =	simm.s32 @!p0 $0x1C05  }
0x15f: {  	[timem:s3], [sflag:s2] =	dma.local @!p0 [hbm:s0], s1  }
0x160: {  	s0 =	simm.s32 @!p0 $0x5  }
0x161: {  	_ =	swait.ge @!p0 [sflag:s0], s1  }
0x162: {  	s1 =	ssub.s32 @!p0 $0x0, s1;
	[sflag:s0] =	ssyncset.done @!p0 $0x0  }
0x163: {  	[sflag:s0] =	ssyncadd.s32 @!p0 s1  }
0x164: {  	[bflag:$0x3] =	sbarrier.arrive $0xFFFF  }
0x165: {  	_ =	shalt  }

</sc_bundles>
